<compile_context>
chip_gen: v7x
topology: tpu7x:2x2x1
jax: 0.10.2.dev20260603
libtpu: 0.0.44.dev20260713+nightly
codegen_flags: <defaults>
</compile_context>

<pallas_src>
import functools

import numpy as np
import jax
import jax.numpy as jnp
from jax import lax
from jax.experimental import pallas as pl
from jax.experimental.pallas import tpu as pltpu
from jax.experimental.pallas import tpu_sc as plsc

_N = 10000
_E = 320000
_D = 128
_G = 64
_NCLS = 16

_NC, _NS = 2, 16
_NP = 10112
_RPT = _NP // _NS
_CHUNK = 128
_CH = 79
_EPAD = _NC * _NS * _CH * _CHUNK

_BN = 1000
_NBLK = _N // _BN

_BNSCALE = float(1.0 / np.sqrt(1.0 + 1e-5))


def _dot(a, b):
    return lax.dot_general(a, b, (((1,), (0,)), ((), ())),
                           precision=lax.Precision.HIGHEST,
                           preferred_element_type=jnp.float32)



@functools.cache
def _get_sc_agg():
    mesh = plsc.VectorSubcoreMesh(core_axis_name="c", subcore_axis_name="s",
                                  num_cores=_NC, num_subcores=_NS)

    @functools.partial(
        pl.kernel,
        mesh=mesh,
        out_type=jax.ShapeDtypeStruct((_NC, _NP, _D), jnp.float32),
        scratch_types=[
            pltpu.VMEM((_CH, _CHUNK), jnp.int32),
            pltpu.VMEM((_CH, _CHUNK), jnp.int32),
            pltpu.VMEM((_CHUNK, _D), jnp.float32),
            pltpu.VMEM_SHARED((_NP, _D), jnp.float32),
            pltpu.SemaphoreType.DMA,
        ],
    )
    def _sc_agg(x_hbm, src_hbm, dst_hbm, zeros_hbm, out_hbm,
                src_v, dst_v, rows_v, agg_sh, sem):
        c = lax.axis_index("c")
        s = lax.axis_index("s")
        pltpu.sync_copy(zeros_hbm.at[pl.ds(s * _RPT, _RPT)],
                        agg_sh.at[pl.ds(s * _RPT, _RPT)])
        pltpu.sync_copy(src_hbm.at[c, s], src_v)
        pltpu.sync_copy(dst_hbm.at[c, s], dst_v)
        plsc.subcore_barrier()

        def body(j, carry):
            pltpu.async_copy(x_hbm.at[src_v.at[j]], rows_v, sem).wait()
            pltpu.sync_copy(rows_v, agg_sh.at[dst_v.at[j]], add=True)
            return carry

        lax.fori_loop(0, _CH, body, 0)
        plsc.subcore_barrier()
        pltpu.sync_copy(agg_sh.at[pl.ds(s * _RPT, _RPT)],
                        out_hbm.at[c, pl.ds(s * _RPT, _RPT)])

    return _sc_agg



def _gin_mlp(x, agg, eps, wa, ba, wb, bb, g, be):
    h = (1.0 + eps) * x + agg
    h = jnp.maximum(_dot(h, wa) + ba, 0.0)
    h = jnp.maximum(_dot(h, wb) + bb, 0.0)
    return h * (g * _BNSCALE) + be


def _mlp_body(eps_ref, x_ref, agg_ref, wa_ref, ba_ref, wb_ref, bb_ref,
              g_ref, be_ref, out_ref):
    out_ref[...] = _gin_mlp(x_ref[...], agg_ref[0] + agg_ref[1], eps_ref[0],
                            wa_ref[...], ba_ref[...], wb_ref[...], bb_ref[...],
                            g_ref[...], be_ref[...])


_w_spec = pl.BlockSpec((_D, _D), lambda i: (0, 0))
_v_spec = pl.BlockSpec((1, _D), lambda i: (0, 0))

_mlp_call = pl.pallas_call(
    _mlp_body,
    grid=(_NBLK,),
    in_specs=[
        pl.BlockSpec(memory_space=pltpu.SMEM),
        pl.BlockSpec((_BN, _D), lambda i: (i, 0)),
        pl.BlockSpec((_NC, _BN, _D), lambda i: (0, i, 0)),
        _w_spec, _v_spec, _w_spec, _v_spec, _v_spec, _v_spec,
    ],
    out_specs=pl.BlockSpec((_BN, _D), lambda i: (i, 0)),
    out_shape=jax.ShapeDtypeStruct((_N, _D), jnp.float32),
)



def _final_body(eps_ref, x2_ref, agg_ref, wa_ref, ba_ref, wb_ref, bb_ref,
                g_ref, be_ref, x1_ref, batch_ref, emb_ref,
                w1_ref, b1_ref, w2_ref, b2_ref, w4_ref, b4_ref,
                out_ref, pooled_ref, counts_ref):
    i = pl.program_id(0)
    x2 = x2_ref[...]
    x3 = _gin_mlp(x2, agg_ref[0] + agg_ref[1], eps_ref[0],
                  wa_ref[...], ba_ref[...], wb_ref[...], bb_ref[...],
                  g_ref[...], be_ref[...])
    ids = batch_ref[0]
    gidx = lax.broadcasted_iota(jnp.int32, (_G, _BN), 0)
    oh = (gidx == ids).astype(jnp.float32)
    cat = jnp.concatenate([x1_ref[...], x2, x3], axis=1)
    contrib = _dot(oh, cat)
    cnt = jnp.sum(oh, axis=1, keepdims=True)

    @pl.when(i == 0)
    def _():
        pooled_ref[...] = jnp.zeros_like(pooled_ref)
        counts_ref[...] = jnp.zeros_like(counts_ref)

    pooled_ref[...] += contrib
    counts_ref[...] += jnp.broadcast_to(cnt, counts_ref.shape)

    @pl.when(i == _NBLK - 1)
    def _():
        c = jnp.maximum(counts_ref[...], 1.0)
        pooled = pooled_ref[...] / jnp.concatenate([c, c, c], axis=1)
        z = jnp.concatenate([pooled, emb_ref[...]], axis=1)
        z = jnp.maximum(_dot(z, w1_ref[...]) + b1_ref[...], 0.0)
        z = jnp.maximum(_dot(z, w2_ref[...]) + b2_ref[...], 0.0)
        z = _dot(z, w4_ref[...]) + b4_ref[...]
        m = jnp.max(z, axis=1, keepdims=True)
        lse = jnp.log(jnp.sum(jnp.exp(z - m), axis=1, keepdims=True)) + m
        out_ref[...] = z - lse


_final_call = pl.pallas_call(
    _final_body,
    grid=(_NBLK,),
    in_specs=[
        pl.BlockSpec(memory_space=pltpu.SMEM),
        pl.BlockSpec((_BN, _D), lambda i: (i, 0)),
        pl.BlockSpec((_NC, _BN, _D), lambda i: (0, i, 0)),
        _w_spec, _v_spec, _w_spec, _v_spec, _v_spec, _v_spec,
        pl.BlockSpec((_BN, _D), lambda i: (i, 0)),
        pl.BlockSpec((1, 1, _BN), lambda i: (i, 0, 0)),
        pl.BlockSpec((_G, _D), lambda i: (0, 0)),
        pl.BlockSpec((3 * _D + _D, 2 * _D), lambda i: (0, 0)),
        pl.BlockSpec((1, 2 * _D), lambda i: (0, 0)),
        pl.BlockSpec((2 * _D, _D), lambda i: (0, 0)),
        _v_spec,
        pl.BlockSpec((_D, _NCLS), lambda i: (0, 0)),
        pl.BlockSpec((1, _NCLS), lambda i: (0, 0)),
    ],
    out_specs=pl.BlockSpec((_G, _NCLS), lambda i: (0, 0)),
    out_shape=jax.ShapeDtypeStruct((_G, _NCLS), jnp.float32),
    scratch_shapes=[
        pltpu.VMEM((_G, 3 * _D), jnp.float32),
        pltpu.VMEM((_G, _D), jnp.float32),
    ],
)


def kernel(x, edge_index, batch, emb,
           eps0, W0a, b0a, W0b, b0b, g0, be0,
           eps1, W1a, b1a, W1b, b1b, g1, be1,
           eps2, W2a, b2a, W2b, b2b, g2, be2,
           W_lin1, b_lin1, W_lin2, b_lin2, W_lin4, b_lin4):
    src = edge_index[0]
    dst = edge_index[1]
    pad = _EPAD - _E
    src_p = jnp.concatenate([src, jnp.zeros((pad,), jnp.int32)])
    src_p = src_p.reshape(_NC, _NS, _CH, _CHUNK)
    dst_p = jnp.concatenate([dst, jnp.full((pad,), _N, jnp.int32)])
    dst_p = dst_p.reshape(_NC, _NS, _CH, _CHUNK)
    zeros = jnp.zeros((_NP, _D), jnp.float32)
    batch_r = batch.reshape(_NBLK, 1, _BN)

    def row(v):
        return v.reshape(1, -1)

    sc_agg = _get_sc_agg()
    agg1 = sc_agg(x, src_p, dst_p, zeros)
    x1 = _mlp_call(eps0.reshape(1), x, agg1, W0a, row(b0a), W0b, row(b0b),
                   row(g0), row(be0))
    agg2 = sc_agg(x1, src_p, dst_p, zeros)
    x2 = _mlp_call(eps1.reshape(1), x1, agg2, W1a, row(b1a), W1b, row(b1b),
                   row(g1), row(be1))
    agg3 = sc_agg(x2, src_p, dst_p, zeros)
    out = _final_call(eps2.reshape(1), x2, agg3, W2a, row(b2a), W2b, row(b2b),
                      row(g2), row(be2), x1, batch_r, emb,
                      W_lin1, row(b_lin1), W_lin2, row(b_lin2),
                      W_lin4, row(b_lin4))
    return out

# --- scband reference (transcript-rebuilt; emitter-appended) ---
"""Pipeline reference for scband-fegin-68899865362614 (READ-ONLY COPY).

The authoritative reference and input builder live on the scoring server;
editing this copy changes nothing except your own understanding.
"""

import jax, jax.numpy as jnp
import numpy as np

N = 10000
E = 320000
D = 128
H = 128
G = 64
EMB = 128
C = 16


def _gin_conv(x, src, dst, eps, Wa, ba, Wb, bb, g, be):
    agg = jax.ops.segment_sum(x[src], dst, num_segments=N)
    h = (1.0 + eps) * x + agg
    h = jax.nn.relu(h @ Wa + ba)
    h = jax.nn.relu(h @ Wb + bb)
    # BatchNorm1d in eval mode with running_mean=0, running_var=1
    h = h * (g / jnp.sqrt(1.0 + 1e-5)) + be
    return h


def setup_inputs(seed: int = 0) -> dict:
    key = jax.random.key(seed)
    ks = jax.random.split(key, 40)
    inp = {}
    inp['x'] = jax.random.normal(ks[0], (N, D), dtype=jnp.float32)
    inp['edge_index'] = jax.random.randint(ks[1], (2, E), 0, N, dtype=jnp.int32)
    inp['batch'] = jnp.sort(jax.random.randint(ks[2], (N,), 0, G, dtype=jnp.int32))
    inp['emb'] = jax.random.normal(ks[3], (G, EMB), dtype=jnp.float32)
    i = 4
    for l in range(3):
        din = D if l == 0 else H
        inp['eps%d' % l] = jnp.zeros((), dtype=jnp.float32)
        inp['W%da' % l] = jax.random.normal(ks[i], (din, H), dtype=jnp.float32) / np.sqrt(din); i += 1
        inp['b%da' % l] = jnp.zeros((H,), dtype=jnp.float32)
        inp['W%db' % l] = jax.random.normal(ks[i], (H, H), dtype=jnp.float32) / np.sqrt(H); i += 1
        inp['b%db' % l] = jnp.zeros((H,), dtype=jnp.float32)
        inp['g%d' % l] = jnp.ones((H,), dtype=jnp.float32)
        inp['be%d' % l] = jnp.zeros((H,), dtype=jnp.float32)
    inp['W_lin1'] = jax.random.normal(ks[i], (3 * H + EMB, 2 * H), dtype=jnp.float32) / np.sqrt(3 * H + EMB); i += 1
    inp['b_lin1'] = jnp.zeros((2 * H,), dtype=jnp.float32)
    inp['W_lin2'] = jax.random.normal(ks[i], (2 * H, H), dtype=jnp.float32) / np.sqrt(2 * H); i += 1
    inp['b_lin2'] = jnp.zeros((H,), dtype=jnp.float32)
    inp['W_lin4'] = jax.random.normal(ks[i], (H, C), dtype=jnp.float32) / np.sqrt(H); i += 1
    inp['b_lin4'] = jnp.zeros((C,), dtype=jnp.float32)
    return inp


def reference(x, edge_index, batch, emb,
              eps0, W0a, b0a, W0b, b0b, g0, be0,
              eps1, W1a, b1a, W1b, b1b, g1, be1,
              eps2, W2a, b2a, W2b, b2b, g2, be2,
              W_lin1, b_lin1, W_lin2, b_lin2, W_lin4, b_lin4):
    src = edge_index[0]
    dst = edge_index[1]
    x1 = _gin_conv(x, src, dst, eps0, W0a, b0a, W0b, b0b, g0, be0)
    x2 = _gin_conv(x1, src, dst, eps1, W1a, b1a, W1b, b1b, g1, be1)
    x3 = _gin_conv(x2, src, dst, eps2, W2a, b2a, W2b, b2b, g2, be2)
    h = jnp.concatenate([x1, x2, x3], axis=1)
    counts = jax.ops.segment_sum(jnp.ones((N,), dtype=jnp.float32), batch, num_segments=G)
    pooled = jax.ops.segment_sum(h, batch, num_segments=G) / jnp.maximum(counts, 1.0)[:, None]
    e = emb.reshape(G, -1)
    z = jnp.concatenate([pooled, e], axis=1)
    z = jax.nn.relu(jax.nn.relu(z @ W_lin1 + b_lin1))
    z = jax.nn.relu(z @ W_lin2 + b_lin2)
    z = z @ W_lin4 + b_lin4
    return jax.nn.log_softmax(z, axis=1)

if __name__ == "__main__":
    import jax
    _d = setup_inputs()
    print(jax.jit(kernel)(*tuple(_d.values())))

</pallas_src>

<mosaic_0001>
#map = affine_map<(d0, d1) -> (0, 0)>
#map1 = affine_map<(d0, d1) -> (0, 0, 0, 0)>
#map2 = affine_map<(d0, d1) -> (0, 0, 0)>
module attributes {stable_mosaic.version = 14 : i64} {
  func.func @_sc_agg(%arg0: i32, %arg1: i32, %arg2: memref<10000x128xf32, #tpu.memory_space<hbm>>, %arg3: memref<2x16x79x128xi32, #tpu.memory_space<hbm>>, %arg4: memref<2x16x79x128xi32, #tpu.memory_space<hbm>>, %arg5: memref<10112x128xf32, #tpu.memory_space<hbm>>, %arg6: memref<2x10112x128xf32, #tpu.memory_space<hbm>>, %arg7: memref<79x128xi32, #tpu.memory_space<vmem>>, %arg8: memref<79x128xi32, #tpu.memory_space<vmem>>, %arg9: memref<128x128xf32, #tpu.memory_space<vmem>>, %arg10: memref<10112x128xf32, #tpu.memory_space<vmem_shared>>, %arg11: memref<!tpu.dma_semaphore, #tpu.memory_space<semaphore_mem>>) attributes {dimension_semantics = [#tpu.dimension_semantics<core_parallel>, #tpu.dimension_semantics<subcore_parallel>], iteration_bounds = array<i64: 2, 16>, scalar_prefetch = 0 : i64, scratch_operands = 5 : i64, tpu.core_type = #tpu.core_type<sc_vector_subcore>, window_params = [{transform_indices = #map}, {transform_indices = #map1}, {transform_indices = #map1}, {transform_indices = #map}, {transform_indices = #map2}]} {
    %mul3A = arith.constant 632 : i32
    %mul3A_0 = arith.muli %arg1, %mul3A : i32
    %mul3A_1 = arith.constant 632 : i32
    %mul3A_2 = arith.muli %arg1, %mul3A_1 : i32
    "tpu.region"() ({
      %run_scoped3A = tpu.sem_alloc : memref<!tpu.dma_semaphore, #tpu.memory_space<semaphore_mem>>
      %dma_start3A = arith.constant 0 : i32
      %dma_start3A_13 = tpu.memref_slice %arg10[%mul3A_2, %dma_start3A] : memref<10112x128xf32, #tpu.memory_space<vmem_shared>> -> memref<632x128xf32, #tpu.memory_space<vmem_shared>>
      %dma_start3A_14 = arith.constant 0 : i32
      %dma_start3A_15 = tpu.memref_slice %arg5[%mul3A_0, %dma_start3A_14] : memref<10112x128xf32, #tpu.memory_space<hbm>> -> memref<632x128xf32, #tpu.memory_space<hbm>>
      tpu.enqueue_dma source(%dma_start3A_15 : memref<632x128xf32, #tpu.memory_space<hbm>>) target(%dma_start3A_13 : memref<632x128xf32, #tpu.memory_space<vmem_shared>>) target_semaphore(%run_scoped3A : memref<!tpu.dma_semaphore, #tpu.memory_space<semaphore_mem>>)
      %dma_wait3A = arith.constant 0 : i32
      %dma_wait3A_16 = tpu.memref_slice %arg10[%mul3A_2, %dma_wait3A] : memref<10112x128xf32, #tpu.memory_space<vmem_shared>> -> memref<632x128xf32, #tpu.memory_space<vmem_shared>>
      %dma_wait3A_17 = arith.constant 0 : i32
      %dma_wait3A_18 = tpu.memref_slice %arg5[%mul3A_0, %dma_wait3A_17] : memref<10112x128xf32, #tpu.memory_space<hbm>> -> memref<632x128xf32, #tpu.memory_space<hbm>>
      tpu.wait_dma2 semaphore(%run_scoped3A : memref<!tpu.dma_semaphore, #tpu.memory_space<semaphore_mem>>) src(%dma_wait3A_18 : memref<632x128xf32, #tpu.memory_space<hbm>>) dst(%dma_wait3A_16 : memref<632x128xf32, #tpu.memory_space<vmem_shared>>)
      tpu.yield
    }) : () -> ()
    "tpu.region"() ({
      %run_scoped3A = tpu.sem_alloc : memref<!tpu.dma_semaphore, #tpu.memory_space<semaphore_mem>>
      %dma_start3A = arith.constant 0 : i32
      %dma_start3A_13 = arith.constant 0 : i32
      %dma_start3A_14 = tpu.memref_slice %arg3[%arg0, %arg1, %dma_start3A, %dma_start3A_13] : memref<2x16x79x128xi32, #tpu.memory_space<hbm>> -> memref<1x1x79x128xi32, #tpu.memory_space<hbm>>
      %dma_start3A_15 = tpu.memref_squeeze %dma_start3A_14 : memref<1x1x79x128xi32, #tpu.memory_space<hbm>> -> memref<79x128xi32, #tpu.memory_space<hbm>>
      %dma_start3A_16 = arith.constant 0 : i32
      %dma_start3A_17 = arith.constant 0 : i32
      %dma_start3A_18 = tpu.memref_slice %arg3[%arg0, %arg1, %dma_start3A_16, %dma_start3A_17] : memref<2x16x79x128xi32, #tpu.memory_space<hbm>> -> memref<1x1x79x128xi32, #tpu.memory_space<hbm>>
      %dma_start3A_19 = tpu.memref_squeeze %dma_start3A_18 : memref<1x1x79x128xi32, #tpu.memory_space<hbm>> -> memref<79x128xi32, #tpu.memory_space<hbm>>
      tpu.enqueue_dma source(%dma_start3A_19 : memref<79x128xi32, #tpu.memory_space<hbm>>) target(%arg7 : memref<79x128xi32, #tpu.memory_space<vmem>>) target_semaphore(%run_scoped3A : memref<!tpu.dma_semaphore, #tpu.memory_space<semaphore_mem>>)
      %dma_wait3A = arith.constant 0 : i32
      %dma_wait3A_20 = arith.constant 0 : i32
      %dma_wait3A_21 = tpu.memref_slice %arg3[%arg0, %arg1, %dma_wait3A, %dma_wait3A_20] : memref<2x16x79x128xi32, #tpu.memory_space<hbm>> -> memref<1x1x79x128xi32, #tpu.memory_space<hbm>>
      %dma_wait3A_22 = tpu.memref_squeeze %dma_wait3A_21 : memref<1x1x79x128xi32, #tpu.memory_space<hbm>> -> memref<79x128xi32, #tpu.memory_space<hbm>>
      %dma_wait3A_23 = arith.constant 0 : i32
      %dma_wait3A_24 = arith.constant 0 : i32
      %dma_wait3A_25 = tpu.memref_slice %arg3[%arg0, %arg1, %dma_wait3A_23, %dma_wait3A_24] : memref<2x16x79x128xi32, #tpu.memory_space<hbm>> -> memref<1x1x79x128xi32, #tpu.memory_space<hbm>>
      %dma_wait3A_26 = tpu.memref_squeeze %dma_wait3A_25 : memref<1x1x79x128xi32, #tpu.memory_space<hbm>> -> memref<79x128xi32, #tpu.memory_space<hbm>>
      tpu.wait_dma2 semaphore(%run_scoped3A : memref<!tpu.dma_semaphore, #tpu.memory_space<semaphore_mem>>) src(%dma_wait3A_26 : memref<79x128xi32, #tpu.memory_space<hbm>>) dst(%arg7 : memref<79x128xi32, #tpu.memory_space<vmem>>)
      tpu.yield
    }) : () -> ()
    "tpu.region"() ({
      %run_scoped3A = tpu.sem_alloc : memref<!tpu.dma_semaphore, #tpu.memory_space<semaphore_mem>>
      %dma_start3A = arith.constant 0 : i32
      %dma_start3A_13 = arith.constant 0 : i32
      %dma_start3A_14 = tpu.memref_slice %arg4[%arg0, %arg1, %dma_start3A, %dma_start3A_13] : memref<2x16x79x128xi32, #tpu.memory_space<hbm>> -> memref<1x1x79x128xi32, #tpu.memory_space<hbm>>
      %dma_start3A_15 = tpu.memref_squeeze %dma_start3A_14 : memref<1x1x79x128xi32, #tpu.memory_space<hbm>> -> memref<79x128xi32, #tpu.memory_space<hbm>>
      %dma_start3A_16 = arith.constant 0 : i32
      %dma_start3A_17 = arith.constant 0 : i32
      %dma_start3A_18 = tpu.memref_slice %arg4[%arg0, %arg1, %dma_start3A_16, %dma_start3A_17] : memref<2x16x79x128xi32, #tpu.memory_space<hbm>> -> memref<1x1x79x128xi32, #tpu.memory_space<hbm>>
      %dma_start3A_19 = tpu.memref_squeeze %dma_start3A_18 : memref<1x1x79x128xi32, #tpu.memory_space<hbm>> -> memref<79x128xi32, #tpu.memory_space<hbm>>
      tpu.enqueue_dma source(%dma_start3A_19 : memref<79x128xi32, #tpu.memory_space<hbm>>) target(%arg8 : memref<79x128xi32, #tpu.memory_space<vmem>>) target_semaphore(%run_scoped3A : memref<!tpu.dma_semaphore, #tpu.memory_space<semaphore_mem>>)
      %dma_wait3A = arith.constant 0 : i32
      %dma_wait3A_20 = arith.constant 0 : i32
      %dma_wait3A_21 = tpu.memref_slice %arg4[%arg0, %arg1, %dma_wait3A, %dma_wait3A_20] : memref<2x16x79x128xi32, #tpu.memory_space<hbm>> -> memref<1x1x79x128xi32, #tpu.memory_space<hbm>>
      %dma_wait3A_22 = tpu.memref_squeeze %dma_wait3A_21 : memref<1x1x79x128xi32, #tpu.memory_space<hbm>> -> memref<79x128xi32, #tpu.memory_space<hbm>>
      %dma_wait3A_23 = arith.constant 0 : i32
      %dma_wait3A_24 = arith.constant 0 : i32
      %dma_wait3A_25 = tpu.memref_slice %arg4[%arg0, %arg1, %dma_wait3A_23, %dma_wait3A_24] : memref<2x16x79x128xi32, #tpu.memory_space<hbm>> -> memref<1x1x79x128xi32, #tpu.memory_space<hbm>>
      %dma_wait3A_26 = tpu.memref_squeeze %dma_wait3A_25 : memref<1x1x79x128xi32, #tpu.memory_space<hbm>> -> memref<79x128xi32, #tpu.memory_space<hbm>>
      tpu.wait_dma2 semaphore(%run_scoped3A : memref<!tpu.dma_semaphore, #tpu.memory_space<semaphore_mem>>) src(%dma_wait3A_26 : memref<79x128xi32, #tpu.memory_space<hbm>>) dst(%arg8 : memref<79x128xi32, #tpu.memory_space<vmem>>)
      tpu.yield
    }) : () -> ()
    %barrier3A = arith.constant 0 : index
    tpu.barrier barrier_id(%barrier3A)
    %scan3A = arith.constant 0 : i32
    %scan3A_3 = arith.constant 0 : i32
    %scan3A_4 = arith.constant 79 : i32
    %scan3A_5 = arith.addi %scan3A_3, %scan3A_4 : i32
    %scan3A_6 = arith.constant 1 : i32
    scf.for %scan3A_13 = %scan3A_3 to %scan3A_5 step %scan3A_6  : i32 {
      %dma_start3A = arith.constant 0 : i32
      %dma_start3A_14 = tpu.memref_slice %arg7[%scan3A_13, %dma_start3A] : memref<79x128xi32, #tpu.memory_space<vmem>> -> memref<1x128xi32, #tpu.memory_space<vmem>>
      %dma_start3A_15 = tpu.memref_squeeze %dma_start3A_14 : memref<1x128xi32, #tpu.memory_space<vmem>> -> memref<128xi32, #tpu.memory_space<vmem>>
      %dma_start3A_16 = arith.constant 0 : i32
      %dma_start3A_17 = arith.constant 0 : i32
      %dma_start3A_18 = tpu.memref_slice %arg2[%dma_start3A_16, %dma_start3A_17] : memref<10000x128xf32, #tpu.memory_space<hbm>> -> memref<10000x128xf32, #tpu.memory_space<hbm>>
      tpu.enqueue_indirect_dma source(%dma_start3A_18 : memref<10000x128xf32, #tpu.memory_space<hbm>>) target(%arg9 : memref<128x128xf32, #tpu.memory_space<vmem>>) offsets(%dma_start3A_15 : memref<128xi32, #tpu.memory_space<vmem>>) semaphore(%arg11 : memref<!tpu.dma_semaphore, #tpu.memory_space<semaphore_mem>>)
      %dma_wait3A = arith.constant 0 : i32
      %dma_wait3A_19 = tpu.memref_slice %arg7[%scan3A_13, %dma_wait3A] : memref<79x128xi32, #tpu.memory_space<vmem>> -> memref<1x128xi32, #tpu.memory_space<vmem>>
      %dma_wait3A_20 = tpu.memref_squeeze %dma_wait3A_19 : memref<1x128xi32, #tpu.memory_space<vmem>> -> memref<128xi32, #tpu.memory_space<vmem>>
      %dma_wait3A_21 = arith.constant 0 : i32
      %dma_wait3A_22 = arith.constant 0 : i32
      %dma_wait3A_23 = tpu.memref_slice %arg2[%dma_wait3A_21, %dma_wait3A_22] : memref<10000x128xf32, #tpu.memory_space<hbm>> -> memref<10000x128xf32, #tpu.memory_space<hbm>>
      tpu.wait_indirect_dma semaphore(%arg11 : memref<!tpu.dma_semaphore, #tpu.memory_space<semaphore_mem>>) src(%dma_wait3A_23 : memref<10000x128xf32, #tpu.memory_space<hbm>>) dst(%arg9 : memref<128x128xf32, #tpu.memory_space<vmem>>)
      "tpu.region"() ({
        %run_scoped3A = tpu.sem_alloc : memref<!tpu.dma_semaphore, #tpu.memory_space<semaphore_mem>>
        %dma_start3A_24 = arith.constant 0 : i32
        %dma_start3A_25 = tpu.memref_slice %arg8[%scan3A_13, %dma_start3A_24] : memref<79x128xi32, #tpu.memory_space<vmem>> -> memref<1x128xi32, #tpu.memory_space<vmem>>
        %dma_start3A_26 = tpu.memref_squeeze %dma_start3A_25 : memref<1x128xi32, #tpu.memory_space<vmem>> -> memref<128xi32, #tpu.memory_space<vmem>>
        %dma_start3A_27 = arith.constant 0 : i32
        %dma_start3A_28 = arith.constant 0 : i32
        %dma_start3A_29 = tpu.memref_slice %arg10[%dma_start3A_27, %dma_start3A_28] : memref<10112x128xf32, #tpu.memory_space<vmem_shared>> -> memref<10112x128xf32, #tpu.memory_space<vmem_shared>>
        tpu.enqueue_indirect_dma source(%arg9 : memref<128x128xf32, #tpu.memory_space<vmem>>) target(%dma_start3A_29 : memref<10112x128xf32, #tpu.memory_space<vmem_shared>>) offsets(%dma_start3A_26 : memref<128xi32, #tpu.memory_space<vmem>>) semaphore(%run_scoped3A : memref<!tpu.dma_semaphore, #tpu.memory_space<semaphore_mem>>) {add = true}
        %dma_wait3A_30 = arith.constant 0 : i32
        %dma_wait3A_31 = tpu.memref_slice %arg8[%scan3A_13, %dma_wait3A_30] : memref<79x128xi32, #tpu.memory_space<vmem>> -> memref<1x128xi32, #tpu.memory_space<vmem>>
        %dma_wait3A_32 = tpu.memref_squeeze %dma_wait3A_31 : memref<1x128xi32, #tpu.memory_space<vmem>> -> memref<128xi32, #tpu.memory_space<vmem>>
        %dma_wait3A_33 = arith.constant 0 : i32
        %dma_wait3A_34 = arith.constant 0 : i32
        %dma_wait3A_35 = tpu.memref_slice %arg10[%dma_wait3A_33, %dma_wait3A_34] : memref<10112x128xf32, #tpu.memory_space<vmem_shared>> -> memref<10112x128xf32, #tpu.memory_space<vmem_shared>>
        tpu.wait_indirect_dma semaphore(%run_scoped3A : memref<!tpu.dma_semaphore, #tpu.memory_space<semaphore_mem>>) src(%arg9 : memref<128x128xf32, #tpu.memory_space<vmem>>) dst(%dma_wait3A_35 : memref<10112x128xf32, #tpu.memory_space<vmem_shared>>)
        tpu.yield
      }) : () -> ()
    }
    %scan3A_7 = arith.constant 79 : i32
    %barrier3A_8 = arith.constant 0 : index
    tpu.barrier barrier_id(%barrier3A_8)
    %mul3A_9 = arith.constant 632 : i32
    %mul3A_10 = arith.muli %arg1, %mul3A_9 : i32
    %mul3A_11 = arith.constant 632 : i32
    %mul3A_12 = arith.muli %arg1, %mul3A_11 : i32
    "tpu.region"() ({
      %run_scoped3A = tpu.sem_alloc : memref<!tpu.dma_semaphore, #tpu.memory_space<semaphore_mem>>
      %dma_start3A = arith.constant 0 : i32
      %dma_start3A_13 = tpu.memref_slice %arg6[%arg0, %mul3A_12, %dma_start3A] : memref<2x10112x128xf32, #tpu.memory_space<hbm>> -> memref<1x632x128xf32, #tpu.memory_space<hbm>>
      %dma_start3A_14 = tpu.memref_squeeze %dma_start3A_13 : memref<1x632x128xf32, #tpu.memory_space<hbm>> -> memref<632x128xf32, #tpu.memory_space<hbm>>
      %dma_start3A_15 = arith.constant 0 : i32
      %dma_start3A_16 = tpu.memref_slice %arg10[%mul3A_10, %dma_start3A_15] : memref<10112x128xf32, #tpu.memory_space<vmem_shared>> -> memref<632x128xf32, #tpu.memory_space<vmem_shared>>
      tpu.enqueue_dma source(%dma_start3A_16 : memref<632x128xf32, #tpu.memory_space<vmem_shared>>) target(%dma_start3A_14 : memref<632x128xf32, #tpu.memory_space<hbm>>) target_semaphore(%run_scoped3A : memref<!tpu.dma_semaphore, #tpu.memory_space<semaphore_mem>>)
      %dma_wait3A = arith.constant 0 : i32
      %dma_wait3A_17 = tpu.memref_slice %arg6[%arg0, %mul3A_12, %dma_wait3A] : memref<2x10112x128xf32, #tpu.memory_space<hbm>> -> memref<1x632x128xf32, #tpu.memory_space<hbm>>
      %dma_wait3A_18 = tpu.memref_squeeze %dma_wait3A_17 : memref<1x632x128xf32, #tpu.memory_space<hbm>> -> memref<632x128xf32, #tpu.memory_space<hbm>>
      %dma_wait3A_19 = arith.constant 0 : i32
      %dma_wait3A_20 = tpu.memref_slice %arg10[%mul3A_10, %dma_wait3A_19] : memref<10112x128xf32, #tpu.memory_space<vmem_shared>> -> memref<632x128xf32, #tpu.memory_space<vmem_shared>>
      tpu.wait_dma2 semaphore(%run_scoped3A : memref<!tpu.dma_semaphore, #tpu.memory_space<semaphore_mem>>) src(%dma_wait3A_20 : memref<632x128xf32, #tpu.memory_space<vmem_shared>>) dst(%dma_wait3A_18 : memref<632x128xf32, #tpu.memory_space<hbm>>)
      tpu.yield
    }) : () -> ()
    return
  }
}

#map = affine_map<(d0, d1) -> (0, 0)>
#map1 = affine_map<(d0, d1) -> (0, 0, 0, 0)>
#map2 = affine_map<(d0, d1) -> (0, 0, 0)>
module attributes {stable_mosaic.version = 14 : i64} {
  func.func @_sc_agg(%arg0: i32, %arg1: i32, %arg2: memref<10000x128xf32, #tpu.memory_space<hbm>>, %arg3: memref<2x16x79x128xi32, #tpu.memory_space<hbm>>, %arg4: memref<2x16x79x128xi32, #tpu.memory_space<hbm>>, %arg5: memref<10112x128xf32, #tpu.memory_space<hbm>>, %arg6: memref<2x10112x128xf32, #tpu.memory_space<hbm>>, %arg7: memref<79x128xi32, #tpu.memory_space<vmem>>, %arg8: memref<79x128xi32, #tpu.memory_space<vmem>>, %arg9: memref<128x128xf32, #tpu.memory_space<vmem>>, %arg10: memref<10112x128xf32, #tpu.memory_space<vmem_shared>>, %arg11: memref<!tpu.dma_semaphore, #tpu.memory_space<semaphore_mem>>) attributes {dimension_semantics = [#tpu.dimension_semantics<core_parallel>, #tpu.dimension_semantics<subcore_parallel>], iteration_bounds = array<i64: 2, 16>, scalar_prefetch = 0 : i64, scratch_operands = 5 : i64, tpu.core_type = #tpu.core_type<sc_vector_subcore>, window_params = [{transform_indices = #map}, {transform_indices = #map1}, {transform_indices = #map1}, {transform_indices = #map}, {transform_indices = #map2}]} {
    %mul3A = arith.constant 632 : i32
    %mul3A_0 = arith.muli %arg1, %mul3A : i32
    %mul3A_1 = arith.constant 632 : i32
    %mul3A_2 = arith.muli %arg1, %mul3A_1 : i32
    "tpu.region"() ({
      %run_scoped3A = tpu.sem_alloc : memref<!tpu.dma_semaphore, #tpu.memory_space<semaphore_mem>>
      %dma_start3A = arith.constant 0 : i32
      %dma_start3A_13 = tpu.memref_slice %arg10[%mul3A_2, %dma_start3A] : memref<10112x128xf32, #tpu.memory_space<vmem_shared>> -> memref<632x128xf32, #tpu.memory_space<vmem_shared>>
      %dma_start3A_14 = arith.constant 0 : i32
      %dma_start3A_15 = tpu.memref_slice %arg5[%mul3A_0, %dma_start3A_14] : memref<10112x128xf32, #tpu.memory_space<hbm>> -> memref<632x128xf32, #tpu.memory_space<hbm>>
      tpu.enqueue_dma source(%dma_start3A_15 : memref<632x128xf32, #tpu.memory_space<hbm>>) target(%dma_start3A_13 : memref<632x128xf32, #tpu.memory_space<vmem_shared>>) target_semaphore(%run_scoped3A : memref<!tpu.dma_semaphore, #tpu.memory_space<semaphore_mem>>)
      %dma_wait3A = arith.constant 0 : i32
      %dma_wait3A_16 = tpu.memref_slice %arg10[%mul3A_2, %dma_wait3A] : memref<10112x128xf32, #tpu.memory_space<vmem_shared>> -> memref<632x128xf32, #tpu.memory_space<vmem_shared>>
      %dma_wait3A_17 = arith.constant 0 : i32
      %dma_wait3A_18 = tpu.memref_slice %arg5[%mul3A_0, %dma_wait3A_17] : memref<10112x128xf32, #tpu.memory_space<hbm>> -> memref<632x128xf32, #tpu.memory_space<hbm>>
      tpu.wait_dma2 semaphore(%run_scoped3A : memref<!tpu.dma_semaphore, #tpu.memory_space<semaphore_mem>>) src(%dma_wait3A_18 : memref<632x128xf32, #tpu.memory_space<hbm>>) dst(%dma_wait3A_16 : memref<632x128xf32, #tpu.memory_space<vmem_shared>>)
      tpu.yield
    }) : () -> ()
    "tpu.region"() ({
      %run_scoped3A = tpu.sem_alloc : memref<!tpu.dma_semaphore, #tpu.memory_space<semaphore_mem>>
      %dma_start3A = arith.constant 0 : i32
      %dma_start3A_13 = arith.constant 0 : i32
      %dma_start3A_14 = tpu.memref_slice %arg3[%arg0, %arg1, %dma_start3A, %dma_start3A_13] : memref<2x16x79x128xi32, #tpu.memory_space<hbm>> -> memref<1x1x79x128xi32, #tpu.memory_space<hbm>>
      %dma_start3A_15 = tpu.memref_squeeze %dma_start3A_14 : memref<1x1x79x128xi32, #tpu.memory_space<hbm>> -> memref<79x128xi32, #tpu.memory_space<hbm>>
      %dma_start3A_16 = arith.constant 0 : i32
      %dma_start3A_17 = arith.constant 0 : i32
      %dma_start3A_18 = tpu.memref_slice %arg3[%arg0, %arg1, %dma_start3A_16, %dma_start3A_17] : memref<2x16x79x128xi32, #tpu.memory_space<hbm>> -> memref<1x1x79x128xi32, #tpu.memory_space<hbm>>
      %dma_start3A_19 = tpu.memref_squeeze %dma_start3A_18 : memref<1x1x79x128xi32, #tpu.memory_space<hbm>> -> memref<79x128xi32, #tpu.memory_space<hbm>>
      tpu.enqueue_dma source(%dma_start3A_19 : memref<79x128xi32, #tpu.memory_space<hbm>>) target(%arg7 : memref<79x128xi32, #tpu.memory_space<vmem>>) target_semaphore(%run_scoped3A : memref<!tpu.dma_semaphore, #tpu.memory_space<semaphore_mem>>)
      %dma_wait3A = arith.constant 0 : i32
      %dma_wait3A_20 = arith.constant 0 : i32
      %dma_wait3A_21 = tpu.memref_slice %arg3[%arg0, %arg1, %dma_wait3A, %dma_wait3A_20] : memref<2x16x79x128xi32, #tpu.memory_space<hbm>> -> memref<1x1x79x128xi32, #tpu.memory_space<hbm>>
      %dma_wait3A_22 = tpu.memref_squeeze %dma_wait3A_21 : memref<1x1x79x128xi32, #tpu.memory_space<hbm>> -> memref<79x128xi32, #tpu.memory_space<hbm>>
      %dma_wait3A_23 = arith.constant 0 : i32
      %dma_wait3A_24 = arith.constant 0 : i32
      %dma_wait3A_25 = tpu.memref_slice %arg3[%arg0, %arg1, %dma_wait3A_23, %dma_wait3A_24] : memref<2x16x79x128xi32, #tpu.memory_space<hbm>> -> memref<1x1x79x128xi32, #tpu.memory_space<hbm>>
      %dma_wait3A_26 = tpu.memref_squeeze %dma_wait3A_25 : memref<1x1x79x128xi32, #tpu.memory_space<hbm>> -> memref<79x128xi32, #tpu.memory_space<hbm>>
      tpu.wait_dma2 semaphore(%run_scoped3A : memref<!tpu.dma_semaphore, #tpu.memory_space<semaphore_mem>>) src(%dma_wait3A_26 : memref<79x128xi32, #tpu.memory_space<hbm>>) dst(%arg7 : memref<79x128xi32, #tpu.memory_space<vmem>>)
      tpu.yield
    }) : () -> ()
    "tpu.region"() ({
      %run_scoped3A = tpu.sem_alloc : memref<!tpu.dma_semaphore, #tpu.memory_space<semaphore_mem>>
      %dma_start3A = arith.constant 0 : i32
      %dma_start3A_13 = arith.constant 0 : i32
      %dma_start3A_14 = tpu.memref_slice %arg4[%arg0, %arg1, %dma_start3A, %dma_start3A_13] : memref<2x16x79x128xi32, #tpu.memory_space<hbm>> -> memref<1x1x79x128xi32, #tpu.memory_space<hbm>>
      %dma_start3A_15 = tpu.memref_squeeze %dma_start3A_14 : memref<1x1x79x128xi32, #tpu.memory_space<hbm>> -> memref<79x128xi32, #tpu.memory_space<hbm>>
      %dma_start3A_16 = arith.constant 0 : i32
      %dma_start3A_17 = arith.constant 0 : i32
      %dma_start3A_18 = tpu.memref_slice %arg4[%arg0, %arg1, %dma_start3A_16, %dma_start3A_17] : memref<2x16x79x128xi32, #tpu.memory_space<hbm>> -> memref<1x1x79x128xi32, #tpu.memory_space<hbm>>
      %dma_start3A_19 = tpu.memref_squeeze %dma_start3A_18 : memref<1x1x79x128xi32, #tpu.memory_space<hbm>> -> memref<79x128xi32, #tpu.memory_space<hbm>>
      tpu.enqueue_dma source(%dma_start3A_19 : memref<79x128xi32, #tpu.memory_space<hbm>>) target(%arg8 : memref<79x128xi32, #tpu.memory_space<vmem>>) target_semaphore(%run_scoped3A : memref<!tpu.dma_semaphore, #tpu.memory_space<semaphore_mem>>)
      %dma_wait3A = arith.constant 0 : i32
      %dma_wait3A_20 = arith.constant 0 : i32
      %dma_wait3A_21 = tpu.memref_slice %arg4[%arg0, %arg1, %dma_wait3A, %dma_wait3A_20] : memref<2x16x79x128xi32, #tpu.memory_space<hbm>> -> memref<1x1x79x128xi32, #tpu.memory_space<hbm>>
      %dma_wait3A_22 = tpu.memref_squeeze %dma_wait3A_21 : memref<1x1x79x128xi32, #tpu.memory_space<hbm>> -> memref<79x128xi32, #tpu.memory_space<hbm>>
      %dma_wait3A_23 = arith.constant 0 : i32
      %dma_wait3A_24 = arith.constant 0 : i32
      %dma_wait3A_25 = tpu.memref_slice %arg4[%arg0, %arg1, %dma_wait3A_23, %dma_wait3A_24] : memref<2x16x79x128xi32, #tpu.memory_space<hbm>> -> memref<1x1x79x128xi32, #tpu.memory_space<hbm>>
      %dma_wait3A_26 = tpu.memref_squeeze %dma_wait3A_25 : memref<1x1x79x128xi32, #tpu.memory_space<hbm>> -> memref<79x128xi32, #tpu.memory_space<hbm>>
      tpu.wait_dma2 semaphore(%run_scoped3A : memref<!tpu.dma_semaphore, #tpu.memory_space<semaphore_mem>>) src(%dma_wait3A_26 : memref<79x128xi32, #tpu.memory_space<hbm>>) dst(%arg8 : memref<79x128xi32, #tpu.memory_space<vmem>>)
      tpu.yield
    }) : () -> ()
    %barrier3A = arith.constant 0 : index
    tpu.barrier barrier_id(%barrier3A)
    %scan3A = arith.constant 0 : i32
    %scan3A_3 = arith.constant 0 : i32
    %scan3A_4 = arith.constant 79 : i32
    %scan3A_5 = arith.addi %scan3A_3, %scan3A_4 : i32
    %scan3A_6 = arith.constant 1 : i32
    scf.for %scan3A_13 = %scan3A_3 to %scan3A_5 step %scan3A_6  : i32 {
      %dma_start3A = arith.constant 0 : i32
      %dma_start3A_14 = tpu.memref_slice %arg7[%scan3A_13, %dma_start3A] : memref<79x128xi32, #tpu.memory_space<vmem>> -> memref<1x128xi32, #tpu.memory_space<vmem>>
      %dma_start3A_15 = tpu.memref_squeeze %dma_start3A_14 : memref<1x128xi32, #tpu.memory_space<vmem>> -> memref<128xi32, #tpu.memory_space<vmem>>
      %dma_start3A_16 = arith.constant 0 : i32
      %dma_start3A_17 = arith.constant 0 : i32
      %dma_start3A_18 = tpu.memref_slice %arg2[%dma_start3A_16, %dma_start3A_17] : memref<10000x128xf32, #tpu.memory_space<hbm>> -> memref<10000x128xf32, #tpu.memory_space<hbm>>
      tpu.enqueue_indirect_dma source(%dma_start3A_18 : memref<10000x128xf32, #tpu.memory_space<hbm>>) target(%arg9 : memref<128x128xf32, #tpu.memory_space<vmem>>) offsets(%dma_start3A_15 : memref<128xi32, #tpu.memory_space<vmem>>) semaphore(%arg11 : memref<!tpu.dma_semaphore, #tpu.memory_space<semaphore_mem>>)
      %dma_wait3A = arith.constant 0 : i32
      %dma_wait3A_19 = tpu.memref_slice %arg7[%scan3A_13, %dma_wait3A] : memref<79x128xi32, #tpu.memory_space<vmem>> -> memref<1x128xi32, #tpu.memory_space<vmem>>
      %dma_wait3A_20 = tpu.memref_squeeze %dma_wait3A_19 : memref<1x128xi32, #tpu.memory_space<vmem>> -> memref<128xi32, #tpu.memory_space<vmem>>
      %dma_wait3A_21 = arith.constant 0 : i32
      %dma_wait3A_22 = arith.constant 0 : i32
      %dma_wait3A_23 = tpu.memref_slice %arg2[%dma_wait3A_21, %dma_wait3A_22] : memref<10000x128xf32, #tpu.memory_space<hbm>> -> memref<10000x128xf32, #tpu.memory_space<hbm>>
      tpu.wait_indirect_dma semaphore(%arg11 : memref<!tpu.dma_semaphore, #tpu.memory_space<semaphore_mem>>) src(%dma_wait3A_23 : memref<10000x128xf32, #tpu.memory_space<hbm>>) dst(%arg9 : memref<128x128xf32, #tpu.memory_space<vmem>>)
      "tpu.region"() ({
        %run_scoped3A = tpu.sem_alloc : memref<!tpu.dma_semaphore, #tpu.memory_space<semaphore_mem>>
        %dma_start3A_24 = arith.constant 0 : i32
        %dma_start3A_25 = tpu.memref_slice %arg8[%scan3A_13, %dma_start3A_24] : memref<79x128xi32, #tpu.memory_space<vmem>> -> memref<1x128xi32, #tpu.memory_space<vmem>>
        %dma_start3A_26 = tpu.memref_squeeze %dma_start3A_25 : memref<1x128xi32, #tpu.memory_space<vmem>> -> memref<128xi32, #tpu.memory_space<vmem>>
        %dma_start3A_27 = arith.constant 0 : i32
        %dma_start3A_28 = arith.constant 0 : i32
        %dma_start3A_29 = tpu.memref_slice %arg10[%dma_start3A_27, %dma_start3A_28] : memref<10112x128xf32, #tpu.memory_space<vmem_shared>> -> memref<10112x128xf32, #tpu.memory_space<vmem_shared>>
        tpu.enqueue_indirect_dma source(%arg9 : memref<128x128xf32, #tpu.memory_space<vmem>>) target(%dma_start3A_29 : memref<10112x128xf32, #tpu.memory_space<vmem_shared>>) offsets(%dma_start3A_26 : memref<128xi32, #tpu.memory_space<vmem>>) semaphore(%run_scoped3A : memref<!tpu.dma_semaphore, #tpu.memory_space<semaphore_mem>>) {add = true}
        %dma_wait3A_30 = arith.constant 0 : i32
        %dma_wait3A_31 = tpu.memref_slice %arg8[%scan3A_13, %dma_wait3A_30] : memref<79x128xi32, #tpu.memory_space<vmem>> -> memref<1x128xi32, #tpu.memory_space<vmem>>
        %dma_wait3A_32 = tpu.memref_squeeze %dma_wait3A_31 : memref<1x128xi32, #tpu.memory_space<vmem>> -> memref<128xi32, #tpu.memory_space<vmem>>
        %dma_wait3A_33 = arith.constant 0 : i32
        %dma_wait3A_34 = arith.constant 0 : i32
        %dma_wait3A_35 = tpu.memref_slice %arg10[%dma_wait3A_33, %dma_wait3A_34] : memref<10112x128xf32, #tpu.memory_space<vmem_shared>> -> memref<10112x128xf32, #tpu.memory_space<vmem_shared>>
        tpu.wait_indirect_dma semaphore(%run_scoped3A : memref<!tpu.dma_semaphore, #tpu.memory_space<semaphore_mem>>) src(%arg9 : memref<128x128xf32, #tpu.memory_space<vmem>>) dst(%dma_wait3A_35 : memref<10112x128xf32, #tpu.memory_space<vmem_shared>>)
        tpu.yield
      }) : () -> ()
    }
    %scan3A_7 = arith.constant 79 : i32
    %barrier3A_8 = arith.constant 0 : index
    tpu.barrier barrier_id(%barrier3A_8)
    %mul3A_9 = arith.constant 632 : i32
    %mul3A_10 = arith.muli %arg1, %mul3A_9 : i32
    %mul3A_11 = arith.constant 632 : i32
    %mul3A_12 = arith.muli %arg1, %mul3A_11 : i32
    "tpu.region"() ({
      %run_scoped3A = tpu.sem_alloc : memref<!tpu.dma_semaphore, #tpu.memory_space<semaphore_mem>>
      %dma_start3A = arith.constant 0 : i32
      %dma_start3A_13 = tpu.memref_slice %arg6[%arg0, %mul3A_12, %dma_start3A] : memref<2x10112x128xf32, #tpu.memory_space<hbm>> -> memref<1x632x128xf32, #tpu.memory_space<hbm>>
      %dma_start3A_14 = tpu.memref_squeeze %dma_start3A_13 : memref<1x632x128xf32, #tpu.memory_space<hbm>> -> memref<632x128xf32, #tpu.memory_space<hbm>>
      %dma_start3A_15 = arith.constant 0 : i32
      %dma_start3A_16 = tpu.memref_slice %arg10[%mul3A_10, %dma_start3A_15] : memref<10112x128xf32, #tpu.memory_space<vmem_shared>> -> memref<632x128xf32, #tpu.memory_space<vmem_shared>>
      tpu.enqueue_dma source(%dma_start3A_16 : memref<632x128xf32, #tpu.memory_space<vmem_shared>>) target(%dma_start3A_14 : memref<632x128xf32, #tpu.memory_space<hbm>>) target_semaphore(%run_scoped3A : memref<!tpu.dma_semaphore, #tpu.memory_space<semaphore_mem>>)
      %dma_wait3A = arith.constant 0 : i32
      %dma_wait3A_17 = tpu.memref_slice %arg6[%arg0, %mul3A_12, %dma_wait3A] : memref<2x10112x128xf32, #tpu.memory_space<hbm>> -> memref<1x632x128xf32, #tpu.memory_space<hbm>>
      %dma_wait3A_18 = tpu.memref_squeeze %dma_wait3A_17 : memref<1x632x128xf32, #tpu.memory_space<hbm>> -> memref<632x128xf32, #tpu.memory_space<hbm>>
      %dma_wait3A_19 = arith.constant 0 : i32
      %dma_wait3A_20 = tpu.memref_slice %arg10[%mul3A_10, %dma_wait3A_19] : memref<10112x128xf32, #tpu.memory_space<vmem_shared>> -> memref<632x128xf32, #tpu.memory_space<vmem_shared>>
      tpu.wait_dma2 semaphore(%run_scoped3A : memref<!tpu.dma_semaphore, #tpu.memory_space<semaphore_mem>>) src(%dma_wait3A_20 : memref<632x128xf32, #tpu.memory_space<vmem_shared>>) dst(%dma_wait3A_18 : memref<632x128xf32, #tpu.memory_space<hbm>>)
      tpu.yield
    }) : () -> ()
    return
  }
}

#map = affine_map<(d0, d1) -> (0, 0)>
#map1 = affine_map<(d0, d1) -> (0, 0, 0, 0)>
#map2 = affine_map<(d0, d1) -> (0, 0, 0)>
module attributes {stable_mosaic.version = 14 : i64} {
  func.func @_sc_agg(%arg0: i32, %arg1: i32, %arg2: memref<10000x128xf32, #tpu.memory_space<hbm>>, %arg3: memref<2x16x79x128xi32, #tpu.memory_space<hbm>>, %arg4: memref<2x16x79x128xi32, #tpu.memory_space<hbm>>, %arg5: memref<10112x128xf32, #tpu.memory_space<hbm>>, %arg6: memref<2x10112x128xf32, #tpu.memory_space<hbm>>, %arg7: memref<79x128xi32, #tpu.memory_space<vmem>>, %arg8: memref<79x128xi32, #tpu.memory_space<vmem>>, %arg9: memref<128x128xf32, #tpu.memory_space<vmem>>, %arg10: memref<10112x128xf32, #tpu.memory_space<vmem_shared>>, %arg11: memref<!tpu.dma_semaphore, #tpu.memory_space<semaphore_mem>>) attributes {dimension_semantics = [#tpu.dimension_semantics<core_parallel>, #tpu.dimension_semantics<subcore_parallel>], iteration_bounds = array<i64: 2, 16>, scalar_prefetch = 0 : i64, scratch_operands = 5 : i64, tpu.core_type = #tpu.core_type<sc_vector_subcore>, window_params = [{transform_indices = #map}, {transform_indices = #map1}, {transform_indices = #map1}, {transform_indices = #map}, {transform_indices = #map2}]} {
    %mul3A = arith.constant 632 : i32
    %mul3A_0 = arith.muli %arg1, %mul3A : i32
    %mul3A_1 = arith.constant 632 : i32
    %mul3A_2 = arith.muli %arg1, %mul3A_1 : i32
    "tpu.region"() ({
      %run_scoped3A = tpu.sem_alloc : memref<!tpu.dma_semaphore, #tpu.memory_space<semaphore_mem>>
      %dma_start3A = arith.constant 0 : i32
      %dma_start3A_13 = tpu.memref_slice %arg10[%mul3A_2, %dma_start3A] : memref<10112x128xf32, #tpu.memory_space<vmem_shared>> -> memref<632x128xf32, #tpu.memory_space<vmem_shared>>
      %dma_start3A_14 = arith.constant 0 : i32
      %dma_start3A_15 = tpu.memref_slice %arg5[%mul3A_0, %dma_start3A_14] : memref<10112x128xf32, #tpu.memory_space<hbm>> -> memref<632x128xf32, #tpu.memory_space<hbm>>
      tpu.enqueue_dma source(%dma_start3A_15 : memref<632x128xf32, #tpu.memory_space<hbm>>) target(%dma_start3A_13 : memref<632x128xf32, #tpu.memory_space<vmem_shared>>) target_semaphore(%run_scoped3A : memref<!tpu.dma_semaphore, #tpu.memory_space<semaphore_mem>>)
      %dma_wait3A = arith.constant 0 : i32
      %dma_wait3A_16 = tpu.memref_slice %arg10[%mul3A_2, %dma_wait3A] : memref<10112x128xf32, #tpu.memory_space<vmem_shared>> -> memref<632x128xf32, #tpu.memory_space<vmem_shared>>
      %dma_wait3A_17 = arith.constant 0 : i32
      %dma_wait3A_18 = tpu.memref_slice %arg5[%mul3A_0, %dma_wait3A_17] : memref<10112x128xf32, #tpu.memory_space<hbm>> -> memref<632x128xf32, #tpu.memory_space<hbm>>
      tpu.wait_dma2 semaphore(%run_scoped3A : memref<!tpu.dma_semaphore, #tpu.memory_space<semaphore_mem>>) src(%dma_wait3A_18 : memref<632x128xf32, #tpu.memory_space<hbm>>) dst(%dma_wait3A_16 : memref<632x128xf32, #tpu.memory_space<vmem_shared>>)
      tpu.yield
    }) : () -> ()
    "tpu.region"() ({
      %run_scoped3A = tpu.sem_alloc : memref<!tpu.dma_semaphore, #tpu.memory_space<semaphore_mem>>
      %dma_start3A = arith.constant 0 : i32
      %dma_start3A_13 = arith.constant 0 : i32
      %dma_start3A_14 = tpu.memref_slice %arg3[%arg0, %arg1, %dma_start3A, %dma_start3A_13] : memref<2x16x79x128xi32, #tpu.memory_space<hbm>> -> memref<1x1x79x128xi32, #tpu.memory_space<hbm>>
      %dma_start3A_15 = tpu.memref_squeeze %dma_start3A_14 : memref<1x1x79x128xi32, #tpu.memory_space<hbm>> -> memref<79x128xi32, #tpu.memory_space<hbm>>
      %dma_start3A_16 = arith.constant 0 : i32
      %dma_start3A_17 = arith.constant 0 : i32
      %dma_start3A_18 = tpu.memref_slice %arg3[%arg0, %arg1, %dma_start3A_16, %dma_start3A_17] : memref<2x16x79x128xi32, #tpu.memory_space<hbm>> -> memref<1x1x79x128xi32, #tpu.memory_space<hbm>>
      %dma_start3A_19 = tpu.memref_squeeze %dma_start3A_18 : memref<1x1x79x128xi32, #tpu.memory_space<hbm>> -> memref<79x128xi32, #tpu.memory_space<hbm>>
      tpu.enqueue_dma source(%dma_start3A_19 : memref<79x128xi32, #tpu.memory_space<hbm>>) target(%arg7 : memref<79x128xi32, #tpu.memory_space<vmem>>) target_semaphore(%run_scoped3A : memref<!tpu.dma_semaphore, #tpu.memory_space<semaphore_mem>>)
      %dma_wait3A = arith.constant 0 : i32
      %dma_wait3A_20 = arith.constant 0 : i32
      %dma_wait3A_21 = tpu.memref_slice %arg3[%arg0, %arg1, %dma_wait3A, %dma_wait3A_20] : memref<2x16x79x128xi32, #tpu.memory_space<hbm>> -> memref<1x1x79x128xi32, #tpu.memory_space<hbm>>
      %dma_wait3A_22 = tpu.memref_squeeze %dma_wait3A_21 : memref<1x1x79x128xi32, #tpu.memory_space<hbm>> -> memref<79x128xi32, #tpu.memory_space<hbm>>
      %dma_wait3A_23 = arith.constant 0 : i32
      %dma_wait3A_24 = arith.constant 0 : i32
      %dma_wait3A_25 = tpu.memref_slice %arg3[%arg0, %arg1, %dma_wait3A_23, %dma_wait3A_24] : memref<2x16x79x128xi32, #tpu.memory_space<hbm>> -> memref<1x1x79x128xi32, #tpu.memory_space<hbm>>
      %dma_wait3A_26 = tpu.memref_squeeze %dma_wait3A_25 : memref<1x1x79x128xi32, #tpu.memory_space<hbm>> -> memref<79x128xi32, #tpu.memory_space<hbm>>
      tpu.wait_dma2 semaphore(%run_scoped3A : memref<!tpu.dma_semaphore, #tpu.memory_space<semaphore_mem>>) src(%dma_wait3A_26 : memref<79x128xi32, #tpu.memory_space<hbm>>) dst(%arg7 : memref<79x128xi32, #tpu.memory_space<vmem>>)
      tpu.yield
    }) : () -> ()
    "tpu.region"() ({
      %run_scoped3A = tpu.sem_alloc : memref<!tpu.dma_semaphore, #tpu.memory_space<semaphore_mem>>
      %dma_start3A = arith.constant 0 : i32
      %dma_start3A_13 = arith.constant 0 : i32
      %dma_start3A_14 = tpu.memref_slice %arg4[%arg0, %arg1, %dma_start3A, %dma_start3A_13] : memref<2x16x79x128xi32, #tpu.memory_space<hbm>> -> memref<1x1x79x128xi32, #tpu.memory_space<hbm>>
      %dma_start3A_15 = tpu.memref_squeeze %dma_start3A_14 : memref<1x1x79x128xi32, #tpu.memory_space<hbm>> -> memref<79x128xi32, #tpu.memory_space<hbm>>
      %dma_start3A_16 = arith.constant 0 : i32
      %dma_start3A_17 = arith.constant 0 : i32
      %dma_start3A_18 = tpu.memref_slice %arg4[%arg0, %arg1, %dma_start3A_16, %dma_start3A_17] : memref<2x16x79x128xi32, #tpu.memory_space<hbm>> -> memref<1x1x79x128xi32, #tpu.memory_space<hbm>>
      %dma_start3A_19 = tpu.memref_squeeze %dma_start3A_18 : memref<1x1x79x128xi32, #tpu.memory_space<hbm>> -> memref<79x128xi32, #tpu.memory_space<hbm>>
      tpu.enqueue_dma source(%dma_start3A_19 : memref<79x128xi32, #tpu.memory_space<hbm>>) target(%arg8 : memref<79x128xi32, #tpu.memory_space<vmem>>) target_semaphore(%run_scoped3A : memref<!tpu.dma_semaphore, #tpu.memory_space<semaphore_mem>>)
      %dma_wait3A = arith.constant 0 : i32
      %dma_wait3A_20 = arith.constant 0 : i32
      %dma_wait3A_21 = tpu.memref_slice %arg4[%arg0, %arg1, %dma_wait3A, %dma_wait3A_20] : memref<2x16x79x128xi32, #tpu.memory_space<hbm>> -> memref<1x1x79x128xi32, #tpu.memory_space<hbm>>
      %dma_wait3A_22 = tpu.memref_squeeze %dma_wait3A_21 : memref<1x1x79x128xi32, #tpu.memory_space<hbm>> -> memref<79x128xi32, #tpu.memory_space<hbm>>
      %dma_wait3A_23 = arith.constant 0 : i32
      %dma_wait3A_24 = arith.constant 0 : i32
      %dma_wait3A_25 = tpu.memref_slice %arg4[%arg0, %arg1, %dma_wait3A_23, %dma_wait3A_24] : memref<2x16x79x128xi32, #tpu.memory_space<hbm>> -> memref<1x1x79x128xi32, #tpu.memory_space<hbm>>
      %dma_wait3A_26 = tpu.memref_squeeze %dma_wait3A_25 : memref<1x1x79x128xi32, #tpu.memory_space<hbm>> -> memref<79x128xi32, #tpu.memory_space<hbm>>
      tpu.wait_dma2 semaphore(%run_scoped3A : memref<!tpu.dma_semaphore, #tpu.memory_space<semaphore_mem>>) src(%dma_wait3A_26 : memref<79x128xi32, #tpu.memory_space<hbm>>) dst(%arg8 : memref<79x128xi32, #tpu.memory_space<vmem>>)
      tpu.yield
    }) : () -> ()
    %barrier3A = arith.constant 0 : index
    tpu.barrier barrier_id(%barrier3A)
    %scan3A = arith.constant 0 : i32
    %scan3A_3 = arith.constant 0 : i32
    %scan3A_4 = arith.constant 79 : i32
    %scan3A_5 = arith.addi %scan3A_3, %scan3A_4 : i32
    %scan3A_6 = arith.constant 1 : i32
    scf.for %scan3A_13 = %scan3A_3 to %scan3A_5 step %scan3A_6  : i32 {
      %dma_start3A = arith.constant 0 : i32
      %dma_start3A_14 = tpu.memref_slice %arg7[%scan3A_13, %dma_start3A] : memref<79x128xi32, #tpu.memory_space<vmem>> -> memref<1x128xi32, #tpu.memory_space<vmem>>
      %dma_start3A_15 = tpu.memref_squeeze %dma_start3A_14 : memref<1x128xi32, #tpu.memory_space<vmem>> -> memref<128xi32, #tpu.memory_space<vmem>>
      %dma_start3A_16 = arith.constant 0 : i32
      %dma_start3A_17 = arith.constant 0 : i32
      %dma_start3A_18 = tpu.memref_slice %arg2[%dma_start3A_16, %dma_start3A_17] : memref<10000x128xf32, #tpu.memory_space<hbm>> -> memref<10000x128xf32, #tpu.memory_space<hbm>>
      tpu.enqueue_indirect_dma source(%dma_start3A_18 : memref<10000x128xf32, #tpu.memory_space<hbm>>) target(%arg9 : memref<128x128xf32, #tpu.memory_space<vmem>>) offsets(%dma_start3A_15 : memref<128xi32, #tpu.memory_space<vmem>>) semaphore(%arg11 : memref<!tpu.dma_semaphore, #tpu.memory_space<semaphore_mem>>)
      %dma_wait3A = arith.constant 0 : i32
      %dma_wait3A_19 = tpu.memref_slice %arg7[%scan3A_13, %dma_wait3A] : memref<79x128xi32, #tpu.memory_space<vmem>> -> memref<1x128xi32, #tpu.memory_space<vmem>>
      %dma_wait3A_20 = tpu.memref_squeeze %dma_wait3A_19 : memref<1x128xi32, #tpu.memory_space<vmem>> -> memref<128xi32, #tpu.memory_space<vmem>>
      %dma_wait3A_21 = arith.constant 0 : i32
      %dma_wait3A_22 = arith.constant 0 : i32
      %dma_wait3A_23 = tpu.memref_slice %arg2[%dma_wait3A_21, %dma_wait3A_22] : memref<10000x128xf32, #tpu.memory_space<hbm>> -> memref<10000x128xf32, #tpu.memory_space<hbm>>
      tpu.wait_indirect_dma semaphore(%arg11 : memref<!tpu.dma_semaphore, #tpu.memory_space<semaphore_mem>>) src(%dma_wait3A_23 : memref<10000x128xf32, #tpu.memory_space<hbm>>) dst(%arg9 : memref<128x128xf32, #tpu.memory_space<vmem>>)
      "tpu.region"() ({
        %run_scoped3A = tpu.sem_alloc : memref<!tpu.dma_semaphore, #tpu.memory_space<semaphore_mem>>
        %dma_start3A_24 = arith.constant 0 : i32
        %dma_start3A_25 = tpu.memref_slice %arg8[%scan3A_13, %dma_start3A_24] : memref<79x128xi32, #tpu.memory_space<vmem>> -> memref<1x128xi32, #tpu.memory_space<vmem>>
        %dma_start3A_26 = tpu.memref_squeeze %dma_start3A_25 : memref<1x128xi32, #tpu.memory_space<vmem>> -> memref<128xi32, #tpu.memory_space<vmem>>
        %dma_start3A_27 = arith.constant 0 : i32
        %dma_start3A_28 = arith.constant 0 : i32
        %dma_start3A_29 = tpu.memref_slice %arg10[%dma_start3A_27, %dma_start3A_28] : memref<10112x128xf32, #tpu.memory_space<vmem_shared>> -> memref<10112x128xf32, #tpu.memory_space<vmem_shared>>
        tpu.enqueue_indirect_dma source(%arg9 : memref<128x128xf32, #tpu.memory_space<vmem>>) target(%dma_start3A_29 : memref<10112x128xf32, #tpu.memory_space<vmem_shared>>) offsets(%dma_start3A_26 : memref<128xi32, #tpu.memory_space<vmem>>) semaphore(%run_scoped3A : memref<!tpu.dma_semaphore, #tpu.memory_space<semaphore_mem>>) {add = true}
        %dma_wait3A_30 = arith.constant 0 : i32
        %dma_wait3A_31 = tpu.memref_slice %arg8[%scan3A_13, %dma_wait3A_30] : memref<79x128xi32, #tpu.memory_space<vmem>> -> memref<1x128xi32, #tpu.memory_space<vmem>>
        %dma_wait3A_32 = tpu.memref_squeeze %dma_wait3A_31 : memref<1x128xi32, #tpu.memory_space<vmem>> -> memref<128xi32, #tpu.memory_space<vmem>>
        %dma_wait3A_33 = arith.constant 0 : i32
        %dma_wait3A_34 = arith.constant 0 : i32
        %dma_wait3A_35 = tpu.memref_slice %arg10[%dma_wait3A_33, %dma_wait3A_34] : memref<10112x128xf32, #tpu.memory_space<vmem_shared>> -> memref<10112x128xf32, #tpu.memory_space<vmem_shared>>
        tpu.wait_indirect_dma semaphore(%run_scoped3A : memref<!tpu.dma_semaphore, #tpu.memory_space<semaphore_mem>>) src(%arg9 : memref<128x128xf32, #tpu.memory_space<vmem>>) dst(%dma_wait3A_35 : memref<10112x128xf32, #tpu.memory_space<vmem_shared>>)
        tpu.yield
      }) : () -> ()
    }
    %scan3A_7 = arith.constant 79 : i32
    %barrier3A_8 = arith.constant 0 : index
    tpu.barrier barrier_id(%barrier3A_8)
    %mul3A_9 = arith.constant 632 : i32
    %mul3A_10 = arith.muli %arg1, %mul3A_9 : i32
    %mul3A_11 = arith.constant 632 : i32
    %mul3A_12 = arith.muli %arg1, %mul3A_11 : i32
    "tpu.region"() ({
      %run_scoped3A = tpu.sem_alloc : memref<!tpu.dma_semaphore, #tpu.memory_space<semaphore_mem>>
      %dma_start3A = arith.constant 0 : i32
      %dma_start3A_13 = tpu.memref_slice %arg6[%arg0, %mul3A_12, %dma_start3A] : memref<2x10112x128xf32, #tpu.memory_space<hbm>> -> memref<1x632x128xf32, #tpu.memory_space<hbm>>
      %dma_start3A_14 = tpu.memref_squeeze %dma_start3A_13 : memref<1x632x128xf32, #tpu.memory_space<hbm>> -> memref<632x128xf32, #tpu.memory_space<hbm>>
      %dma_start3A_15 = arith.constant 0 : i32
      %dma_start3A_16 = tpu.memref_slice %arg10[%mul3A_10, %dma_start3A_15] : memref<10112x128xf32, #tpu.memory_space<vmem_shared>> -> memref<632x128xf32, #tpu.memory_space<vmem_shared>>
      tpu.enqueue_dma source(%dma_start3A_16 : memref<632x128xf32, #tpu.memory_space<vmem_shared>>) target(%dma_start3A_14 : memref<632x128xf32, #tpu.memory_space<hbm>>) target_semaphore(%run_scoped3A : memref<!tpu.dma_semaphore, #tpu.memory_space<semaphore_mem>>)
      %dma_wait3A = arith.constant 0 : i32
      %dma_wait3A_17 = tpu.memref_slice %arg6[%arg0, %mul3A_12, %dma_wait3A] : memref<2x10112x128xf32, #tpu.memory_space<hbm>> -> memref<1x632x128xf32, #tpu.memory_space<hbm>>
      %dma_wait3A_18 = tpu.memref_squeeze %dma_wait3A_17 : memref<1x632x128xf32, #tpu.memory_space<hbm>> -> memref<632x128xf32, #tpu.memory_space<hbm>>
      %dma_wait3A_19 = arith.constant 0 : i32
      %dma_wait3A_20 = tpu.memref_slice %arg10[%mul3A_10, %dma_wait3A_19] : memref<10112x128xf32, #tpu.memory_space<vmem_shared>> -> memref<632x128xf32, #tpu.memory_space<vmem_shared>>
      tpu.wait_dma2 semaphore(%run_scoped3A : memref<!tpu.dma_semaphore, #tpu.memory_space<semaphore_mem>>) src(%dma_wait3A_20 : memref<632x128xf32, #tpu.memory_space<vmem_shared>>) dst(%dma_wait3A_18 : memref<632x128xf32, #tpu.memory_space<hbm>>)
      tpu.yield
    }) : () -> ()
    return
  }
}

module attributes {stable_mosaic.version = 14 : i64} {
  func.func @_mlp_body(%arg0: i32, %arg1: memref<1xf32, #tpu.memory_space<smem>>, %arg2: memref<1000x128xf32, #tpu.memory_space<vmem>>, %arg3: memref<2x1000x128xf32, #tpu.memory_space<vmem>>, %arg4: memref<128x128xf32, #tpu.memory_space<vmem>>, %arg5: memref<1x128xf32, #tpu.memory_space<vmem>>, %arg6: memref<128x128xf32, #tpu.memory_space<vmem>>, %arg7: memref<1x128xf32, #tpu.memory_space<vmem>>, %arg8: memref<1x128xf32, #tpu.memory_space<vmem>>, %arg9: memref<1x128xf32, #tpu.memory_space<vmem>>, %arg10: memref<1000x128xf32, #tpu.memory_space<vmem>>) attributes {dimension_semantics = [#tpu.dimension_semantics<arbitrary>], iteration_bounds = array<i64: 10>, scalar_prefetch = 0 : i64, scratch_operands = 0 : i64, tpu.core_type = #tpu.core_type<tc>, window_params = [{transform_indices = @transform_0, window_bounds = array<i64: 1>}, {transform_indices = @transform_1, window_bounds = array<i64: 1000, 128>}, {transform_indices = @transform_2, window_bounds = array<i64: 2, 1000, 128>}, {pipeline_mode = #tpu.pipeline_mode<synchronous>, transform_indices = @transform_3, window_bounds = array<i64: 128, 128>}, {pipeline_mode = #tpu.pipeline_mode<synchronous>, transform_indices = @transform_4, window_bounds = array<i64: 1, 128>}, {pipeline_mode = #tpu.pipeline_mode<synchronous>, transform_indices = @transform_5, window_bounds = array<i64: 128, 128>}, {pipeline_mode = #tpu.pipeline_mode<synchronous>, transform_indices = @transform_6, window_bounds = array<i64: 1, 128>}, {pipeline_mode = #tpu.pipeline_mode<synchronous>, transform_indices = @transform_7, window_bounds = array<i64: 1, 128>}, {pipeline_mode = #tpu.pipeline_mode<synchronous>, transform_indices = @transform_8, window_bounds = array<i64: 1, 128>}, {transform_indices = @transform_9, window_bounds = array<i64: 1000, 128>}]} {
    %get3A = arith.constant 0 : index
    %get3A_0 = arith.constant 0 : index
    %get3A_1 = vector.load %arg2[%get3A, %get3A_0] : memref<1000x128xf32, #tpu.memory_space<vmem>>, vector<1000x128xf32>
    %get3A_2 = arith.constant 0 : index
    %get3A_3 = arith.constant 0 : index
    %get3A_4 = arith.constant 0 : index
    %get3A_5 = vector.load %arg3[%get3A_2, %get3A_3, %get3A_4] : memref<2x1000x128xf32, #tpu.memory_space<vmem>>, vector<1x1000x128xf32>
    %get3A_6 = vector.shape_cast %get3A_5 : vector<1x1000x128xf32> to vector<1000x128xf32>
    %get3A_7 = arith.constant 1 : index
    %get3A_8 = arith.constant 0 : index
    %get3A_9 = arith.constant 0 : index
    %get3A_10 = vector.load %arg3[%get3A_7, %get3A_8, %get3A_9] : memref<2x1000x128xf32, #tpu.memory_space<vmem>>, vector<1x1000x128xf32>
    %get3A_11 = vector.shape_cast %get3A_10 : vector<1x1000x128xf32> to vector<1000x128xf32>
    %add3A = arith.addf %get3A_6, %get3A_11 : vector<1000x128xf32>
    %get3A_12 = arith.constant 0 : index
    %get3A_13 = memref.load %arg1[%get3A_12] : memref<1xf32, #tpu.memory_space<smem>>
    %get3A_14 = arith.constant 0 : index
    %get3A_15 = arith.constant 0 : index
    %get3A_16 = vector.load %arg4[%get3A_14, %get3A_15] : memref<128x128xf32, #tpu.memory_space<vmem>>, vector<128x128xf32>
    %get3A_17 = arith.constant 0 : index
    %get3A_18 = arith.constant 0 : index
    %get3A_19 = vector.load %arg5[%get3A_17, %get3A_18] : memref<1x128xf32, #tpu.memory_space<vmem>>, vector<1x128xf32>
    %get3A_20 = arith.constant 0 : index
    %get3A_21 = arith.constant 0 : index
    %get3A_22 = vector.load %arg6[%get3A_20, %get3A_21] : memref<128x128xf32, #tpu.memory_space<vmem>>, vector<128x128xf32>
    %get3A_23 = arith.constant 0 : index
    %get3A_24 = arith.constant 0 : index
    %get3A_25 = vector.load %arg7[%get3A_23, %get3A_24] : memref<1x128xf32, #tpu.memory_space<vmem>>, vector<1x128xf32>
    %get3A_26 = arith.constant 0 : index
    %get3A_27 = arith.constant 0 : index
    %get3A_28 = vector.load %arg8[%get3A_26, %get3A_27] : memref<1x128xf32, #tpu.memory_space<vmem>>, vector<1x128xf32>
    %get3A_29 = arith.constant 0 : index
    %get3A_30 = arith.constant 0 : index
    %get3A_31 = vector.load %arg9[%get3A_29, %get3A_30] : memref<1x128xf32, #tpu.memory_space<vmem>>, vector<1x128xf32>
    %add3A_32 = arith.constant 1.000000e+00 : f32
    %add3A_33 = arith.addf %add3A_32, %get3A_13 : f32
    %mul3A = vector.broadcast %add3A_33 : f32 to vector<1000x128xf32>
    %mul3A_34 = arith.mulf %mul3A, %get3A_1 : vector<1000x128xf32>
    %add3A_35 = arith.addf %mul3A_34, %add3A : vector<1000x128xf32>
    %dot_general3A = arith.constant dense<0.000000e+00> : vector<1000x128xf32>
    %dot_general3A_36 = tpu.matmul %add3A_35, %get3A_16, %dot_general3A {dimension_numbers = #tpu.dot_dimension_numbers<[1], [0], [0], [1], [0, 0, 1, 1], [], []>, precision = #tpu.contract_precision<fp32>, transpose_lhs_hint = false} : vector<1000x128xf32>, vector<128x128xf32>, vector<1000x128xf32> -> vector<1000x128xf32>
    %add3A_37 = vector.broadcast %get3A_19 : vector<1x128xf32> to vector<1000x128xf32>
    %add3A_38 = arith.addf %dot_general3A_36, %add3A_37 : vector<1000x128xf32>
    %max3A = arith.constant 0.000000e+00 : f32
    %max3A_39 = vector.broadcast %max3A : f32 to vector<1000x128xf32>
    %max3A_40 = arith.maximumf %add3A_38, %max3A_39 : vector<1000x128xf32>
    %dot_general3A_41 = arith.constant dense<0.000000e+00> : vector<1000x128xf32>
    %dot_general3A_42 = tpu.matmul %max3A_40, %get3A_22, %dot_general3A_41 {dimension_numbers = #tpu.dot_dimension_numbers<[1], [0], [0], [1], [0, 0, 1, 1], [], []>, precision = #tpu.contract_precision<fp32>, transpose_lhs_hint = false} : vector<1000x128xf32>, vector<128x128xf32>, vector<1000x128xf32> -> vector<1000x128xf32>
    %add3A_43 = vector.broadcast %get3A_25 : vector<1x128xf32> to vector<1000x128xf32>
    %add3A_44 = arith.addf %dot_general3A_42, %add3A_43 : vector<1000x128xf32>
    %max3A_45 = arith.constant 0.000000e+00 : f32
    %max3A_46 = vector.broadcast %max3A_45 : f32 to vector<1000x128xf32>
    %max3A_47 = arith.maximumf %add3A_44, %max3A_46 : vector<1000x128xf32>
    %mul3A_48 = arith.constant 0.999994993 : f32
    %mul3A_49 = vector.broadcast %mul3A_48 : f32 to vector<1x128xf32>
    %mul3A_50 = arith.mulf %get3A_28, %mul3A_49 : vector<1x128xf32>
    %mul3A_51 = vector.broadcast %mul3A_50 : vector<1x128xf32> to vector<1000x128xf32>
    %mul3A_52 = arith.mulf %max3A_47, %mul3A_51 : vector<1000x128xf32>
    %add3A_53 = vector.broadcast %get3A_31 : vector<1x128xf32> to vector<1000x128xf32>
    %add3A_54 = arith.addf %mul3A_52, %add3A_53 : vector<1000x128xf32>
    %swap3A = arith.constant 0 : index
    %swap3A_55 = arith.constant 0 : index
    %swap3A_56 = vector.load %arg10[%swap3A, %swap3A_55] : memref<1000x128xf32, #tpu.memory_space<vmem>>, vector<1000x128xf32>
    tpu.vector_store %arg10[%swap3A, %swap3A_55], %add3A_54 {strides = array<i32>} : memref<1000x128xf32, #tpu.memory_space<vmem>>, vector<1000x128xf32>,
    return
  }
  func.func @transform_0(%arg0: i32) -> i32 {
    %c0_i32 = arith.constant 0 : i32
    %c0_i32_0 = arith.constant 0 : i32
    return %c0_i32 : i32
  }
  func.func @transform_1(%arg0: i32) -> (i32, i32) {
    %c0_i32 = arith.constant 0 : i32
    %c0_i32_0 = arith.constant 0 : i32
    return %arg0, %c0_i32 : i32, i32
  }
  func.func @transform_2(%arg0: i32) -> (i32, i32, i32) {
    %c0_i32 = arith.constant 0 : i32
    %c0_i32_0 = arith.constant 0 : i32
    %c0_i32_1 = arith.constant 0 : i32
    return %c0_i32, %arg0, %c0_i32_0 : i32, i32, i32
  }
  func.func @transform_3(%arg0: i32) -> (i32, i32) {
    %c0_i32 = arith.constant 0 : i32
    %c0_i32_0 = arith.constant 0 : i32
    %c0_i32_1 = arith.constant 0 : i32
    return %c0_i32, %c0_i32_0 : i32, i32
  }
  func.func @transform_4(%arg0: i32) -> (i32, i32) {
    %c0_i32 = arith.constant 0 : i32
    %c0_i32_0 = arith.constant 0 : i32
    %c0_i32_1 = arith.constant 0 : i32
    return %c0_i32, %c0_i32_0 : i32, i32
  }
  func.func @transform_5(%arg0: i32) -> (i32, i32) {
    %c0_i32 = arith.constant 0 : i32
    %c0_i32_0 = arith.constant 0 : i32
    %c0_i32_1 = arith.constant 0 : i32
    return %c0_i32, %c0_i32_0 : i32, i32
  }
  func.func @transform_6(%arg0: i32) -> (i32, i32) {
    %c0_i32 = arith.constant 0 : i32
    %c0_i32_0 = arith.constant 0 : i32
    %c0_i32_1 = arith.constant 0 : i32
    return %c0_i32, %c0_i32_0 : i32, i32
  }
  func.func @transform_7(%arg0: i32) -> (i32, i32) {
    %c0_i32 = arith.constant 0 : i32
    %c0_i32_0 = arith.constant 0 : i32
    %c0_i32_1 = arith.constant 0 : i32
    return %c0_i32, %c0_i32_0 : i32, i32
  }
  func.func @transform_8(%arg0: i32) -> (i32, i32) {
    %c0_i32 = arith.constant 0 : i32
    %c0_i32_0 = arith.constant 0 : i32
    %c0_i32_1 = arith.constant 0 : i32
    return %c0_i32, %c0_i32_0 : i32, i32
  }
  func.func @transform_9(%arg0: i32) -> (i32, i32) {
    %c0_i32 = arith.constant 0 : i32
    %c0_i32_0 = arith.constant 0 : i32
    return %arg0, %c0_i32 : i32, i32
  }
}

module attributes {stable_mosaic.version = 14 : i64} {
  func.func @_final_body(%arg0: i32, %arg1: memref<1xf32, #tpu.memory_space<smem>>, %arg2: memref<1000x128xf32, #tpu.memory_space<vmem>>, %arg3: memref<2x1000x128xf32, #tpu.memory_space<vmem>>, %arg4: memref<128x128xf32, #tpu.memory_space<vmem>>, %arg5: memref<1x128xf32, #tpu.memory_space<vmem>>, %arg6: memref<128x128xf32, #tpu.memory_space<vmem>>, %arg7: memref<1x128xf32, #tpu.memory_space<vmem>>, %arg8: memref<1x128xf32, #tpu.memory_space<vmem>>, %arg9: memref<1x128xf32, #tpu.memory_space<vmem>>, %arg10: memref<1000x128xf32, #tpu.memory_space<vmem>>, %arg11: memref<1x1x1000xi32, #tpu.memory_space<vmem>>, %arg12: memref<64x128xf32, #tpu.memory_space<vmem>>, %arg13: memref<512x256xf32, #tpu.memory_space<vmem>>, %arg14: memref<1x256xf32, #tpu.memory_space<vmem>>, %arg15: memref<256x128xf32, #tpu.memory_space<vmem>>, %arg16: memref<1x128xf32, #tpu.memory_space<vmem>>, %arg17: memref<128x16xf32, #tpu.memory_space<vmem>>, %arg18: memref<1x16xf32, #tpu.memory_space<vmem>>, %arg19: memref<64x16xf32, #tpu.memory_space<vmem>>, %arg20: memref<64x384xf32, #tpu.memory_space<vmem>>, %arg21: memref<64x128xf32, #tpu.memory_space<vmem>>) attributes {dimension_semantics = [#tpu.dimension_semantics<arbitrary>], iteration_bounds = array<i64: 10>, scalar_prefetch = 0 : i64, scratch_operands = 2 : i64, tpu.core_type = #tpu.core_type<tc>, window_params = [{transform_indices = @transform_0, window_bounds = array<i64: 1>}, {transform_indices = @transform_1, window_bounds = array<i64: 1000, 128>}, {transform_indices = @transform_2, window_bounds = array<i64: 2, 1000, 128>}, {pipeline_mode = #tpu.pipeline_mode<synchronous>, transform_indices = @transform_3, window_bounds = array<i64: 128, 128>}, {pipeline_mode = #tpu.pipeline_mode<synchronous>, transform_indices = @transform_4, window_bounds = array<i64: 1, 128>}, {pipeline_mode = #tpu.pipeline_mode<synchronous>, transform_indices = @transform_5, window_bounds = array<i64: 128, 128>}, {pipeline_mode = #tpu.pipeline_mode<synchronous>, transform_indices = @transform_6, window_bounds = array<i64: 1, 128>}, {pipeline_mode = #tpu.pipeline_mode<synchronous>, transform_indices = @transform_7, window_bounds = array<i64: 1, 128>}, {pipeline_mode = #tpu.pipeline_mode<synchronous>, transform_indices = @transform_8, window_bounds = array<i64: 1, 128>}, {transform_indices = @transform_9, window_bounds = array<i64: 1000, 128>}, {transform_indices = @transform_10, window_bounds = array<i64: 1, 1, 1000>}, {pipeline_mode = #tpu.pipeline_mode<synchronous>, transform_indices = @transform_11, window_bounds = array<i64: 64, 128>}, {pipeline_mode = #tpu.pipeline_mode<synchronous>, transform_indices = @transform_12, window_bounds = array<i64: 512, 256>}, {pipeline_mode = #tpu.pipeline_mode<synchronous>, transform_indices = @transform_13, window_bounds = array<i64: 1, 256>}, {pipeline_mode = #tpu.pipeline_mode<synchronous>, transform_indices = @transform_14, window_bounds = array<i64: 256, 128>}, {pipeline_mode = #tpu.pipeline_mode<synchronous>, transform_indices = @transform_15, window_bounds = array<i64: 1, 128>}, {pipeline_mode = #tpu.pipeline_mode<synchronous>, transform_indices = @transform_16, window_bounds = array<i64: 128, 16>}, {pipeline_mode = #tpu.pipeline_mode<synchronous>, transform_indices = @transform_17, window_bounds = array<i64: 1, 16>}, {pipeline_mode = #tpu.pipeline_mode<synchronous>, transform_indices = @transform_18, window_bounds = array<i64: 64, 16>}]} {
    %get3A = arith.constant 0 : index
    %get3A_0 = arith.constant 0 : index
    %get3A_1 = vector.load %arg2[%get3A, %get3A_0] : memref<1000x128xf32, #tpu.memory_space<vmem>>, vector<1000x128xf32>
    %get3A_2 = arith.constant 0 : index
    %get3A_3 = arith.constant 0 : index
    %get3A_4 = arith.constant 0 : index
    %get3A_5 = vector.load %arg3[%get3A_2, %get3A_3, %get3A_4] : memref<2x1000x128xf32, #tpu.memory_space<vmem>>, vector<1x1000x128xf32>
    %get3A_6 = vector.shape_cast %get3A_5 : vector<1x1000x128xf32> to vector<1000x128xf32>
    %get3A_7 = arith.constant 1 : index
    %get3A_8 = arith.constant 0 : index
    %get3A_9 = arith.constant 0 : index
    %get3A_10 = vector.load %arg3[%get3A_7, %get3A_8, %get3A_9] : memref<2x1000x128xf32, #tpu.memory_space<vmem>>, vector<1x1000x128xf32>
    %get3A_11 = vector.shape_cast %get3A_10 : vector<1x1000x128xf32> to vector<1000x128xf32>
    %add3A = arith.addf %get3A_6, %get3A_11 : vector<1000x128xf32>
    %get3A_12 = arith.constant 0 : index
    %get3A_13 = memref.load %arg1[%get3A_12] : memref<1xf32, #tpu.memory_space<smem>>
    %get3A_14 = arith.constant 0 : index
    %get3A_15 = arith.constant 0 : index
    %get3A_16 = vector.load %arg4[%get3A_14, %get3A_15] : memref<128x128xf32, #tpu.memory_space<vmem>>, vector<128x128xf32>
    %get3A_17 = arith.constant 0 : index
    %get3A_18 = arith.constant 0 : index
    %get3A_19 = vector.load %arg5[%get3A_17, %get3A_18] : memref<1x128xf32, #tpu.memory_space<vmem>>, vector<1x128xf32>
    %get3A_20 = arith.constant 0 : index
    %get3A_21 = arith.constant 0 : index
    %get3A_22 = vector.load %arg6[%get3A_20, %get3A_21] : memref<128x128xf32, #tpu.memory_space<vmem>>, vector<128x128xf32>
    %get3A_23 = arith.constant 0 : index
    %get3A_24 = arith.constant 0 : index
    %get3A_25 = vector.load %arg7[%get3A_23, %get3A_24] : memref<1x128xf32, #tpu.memory_space<vmem>>, vector<1x128xf32>
    %get3A_26 = arith.constant 0 : index
    %get3A_27 = arith.constant 0 : index
    %get3A_28 = vector.load %arg8[%get3A_26, %get3A_27] : memref<1x128xf32, #tpu.memory_space<vmem>>, vector<1x128xf32>
    %get3A_29 = arith.constant 0 : index
    %get3A_30 = arith.constant 0 : index
    %get3A_31 = vector.load %arg9[%get3A_29, %get3A_30] : memref<1x128xf32, #tpu.memory_space<vmem>>, vector<1x128xf32>
    %add3A_32 = arith.constant 1.000000e+00 : f32
    %add3A_33 = arith.addf %add3A_32, %get3A_13 : f32
    %mul3A = vector.broadcast %add3A_33 : f32 to vector<1000x128xf32>
    %mul3A_34 = arith.mulf %mul3A, %get3A_1 : vector<1000x128xf32>
    %add3A_35 = arith.addf %mul3A_34, %add3A : vector<1000x128xf32>
    %dot_general3A = arith.constant dense<0.000000e+00> : vector<1000x128xf32>
    %dot_general3A_36 = tpu.matmul %add3A_35, %get3A_16, %dot_general3A {dimension_numbers = #tpu.dot_dimension_numbers<[1], [0], [0], [1], [0, 0, 1, 1], [], []>, precision = #tpu.contract_precision<fp32>, transpose_lhs_hint = false} : vector<1000x128xf32>, vector<128x128xf32>, vector<1000x128xf32> -> vector<1000x128xf32>
    %add3A_37 = vector.broadcast %get3A_19 : vector<1x128xf32> to vector<1000x128xf32>
    %add3A_38 = arith.addf %dot_general3A_36, %add3A_37 : vector<1000x128xf32>
    %max3A = arith.constant 0.000000e+00 : f32
    %max3A_39 = vector.broadcast %max3A : f32 to vector<1000x128xf32>
    %max3A_40 = arith.maximumf %add3A_38, %max3A_39 : vector<1000x128xf32>
    %dot_general3A_41 = arith.constant dense<0.000000e+00> : vector<1000x128xf32>
    %dot_general3A_42 = tpu.matmul %max3A_40, %get3A_22, %dot_general3A_41 {dimension_numbers = #tpu.dot_dimension_numbers<[1], [0], [0], [1], [0, 0, 1, 1], [], []>, precision = #tpu.contract_precision<fp32>, transpose_lhs_hint = false} : vector<1000x128xf32>, vector<128x128xf32>, vector<1000x128xf32> -> vector<1000x128xf32>
    %add3A_43 = vector.broadcast %get3A_25 : vector<1x128xf32> to vector<1000x128xf32>
    %add3A_44 = arith.addf %dot_general3A_42, %add3A_43 : vector<1000x128xf32>
    %max3A_45 = arith.constant 0.000000e+00 : f32
    %max3A_46 = vector.broadcast %max3A_45 : f32 to vector<1000x128xf32>
    %max3A_47 = arith.maximumf %add3A_44, %max3A_46 : vector<1000x128xf32>
    %mul3A_48 = arith.constant 0.999994993 : f32
    %mul3A_49 = vector.broadcast %mul3A_48 : f32 to vector<1x128xf32>
    %mul3A_50 = arith.mulf %get3A_28, %mul3A_49 : vector<1x128xf32>
    %mul3A_51 = vector.broadcast %mul3A_50 : vector<1x128xf32> to vector<1000x128xf32>
    %mul3A_52 = arith.mulf %max3A_47, %mul3A_51 : vector<1000x128xf32>
    %add3A_53 = vector.broadcast %get3A_31 : vector<1x128xf32> to vector<1000x128xf32>
    %add3A_54 = arith.addf %mul3A_52, %add3A_53 : vector<1000x128xf32>
    %get3A_55 = arith.constant 0 : index
    %get3A_56 = arith.constant 0 : index
    %get3A_57 = arith.constant 0 : index
    %get3A_58 = vector.load %arg11[%get3A_55, %get3A_56, %get3A_57] : memref<1x1x1000xi32, #tpu.memory_space<vmem>>, vector<1x1x1000xi32>
    %get3A_59 = vector.shape_cast %get3A_58 : vector<1x1x1000xi32> to vector<1x1000xi32>
    %iota3A = tpu.iota {dimensions = array<i32: 0>} : vector<64x1000xi32>
    %eq3A = vector.broadcast %get3A_59 : vector<1x1000xi32> to vector<64x1000xi32>
    %eq3A_60 = arith.cmpi eq, %iota3A, %eq3A : vector<64x1000xi32>
    %convert_element_type3A = arith.extui %eq3A_60 : vector<64x1000xi1> to vector<64x1000xi32>
    %convert_element_type3A_61 = arith.sitofp %convert_element_type3A : vector<64x1000xi32> to vector<64x1000xf32>
    %get3A_62 = arith.constant 0 : index
    %get3A_63 = arith.constant 0 : index
    %get3A_64 = vector.load %arg10[%get3A_62, %get3A_63] : memref<1000x128xf32, #tpu.memory_space<vmem>>, vector<1000x128xf32>
    %concatenate3A = tpu.concatenate %get3A_64, %get3A_1, %add3A_54 in 1 : vector<1000x128xf32>, vector<1000x128xf32>, vector<1000x128xf32> -> vector<1000x384xf32>
    %dot_general3A_65 = arith.constant dense<0.000000e+00> : vector<64x384xf32>
    %dot_general3A_66 = tpu.matmul %convert_element_type3A_61, %concatenate3A, %dot_general3A_65 {dimension_numbers = #tpu.dot_dimension_numbers<[1], [0], [0], [1], [0, 0, 1, 1], [], []>, precision = #tpu.contract_precision<fp32>, transpose_lhs_hint = false} : vector<64x1000xf32>, vector<1000x384xf32>, vector<64x384xf32> -> vector<64x384xf32>
    %reduce_sum3A = arith.constant dense<0.000000e+00> : vector<64xf32>
    %reduce_sum3A_67 = vector.multi_reduction <add>, %convert_element_type3A_61, %reduce_sum3A [1] : vector<64x1000xf32> to vector<64xf32>
    %broadcast_in_dim3A = vector.shape_cast %reduce_sum3A_67 : vector<64xf32> to vector<64x1xf32>
    %eq3A_68 = arith.constant 0 : i32
    %eq3A_69 = arith.cmpi eq, %arg0, %eq3A_68 : i32
    %convert_element_type3A_70 = arith.extui %eq3A_69 : i1 to i32
    %cond3A = arith.constant 0 : i32
    %cond3A_71 = arith.cmpi ne, %convert_element_type3A_70, %cond3A : i32
    scf.if %cond3A_71 {
      %broadcast_in_dim3A_92 = arith.constant 0.000000e+00 : f32
      %broadcast_in_dim3A_93 = vector.broadcast %broadcast_in_dim3A_92 : f32 to vector<64x384xf32>
      %swap3A_94 = arith.constant 0 : index
      %swap3A_95 = arith.constant 0 : index
      %swap3A_96 = vector.load %arg20[%swap3A_94, %swap3A_95] : memref<64x384xf32, #tpu.memory_space<vmem>>, vector<64x384xf32>
      tpu.vector_store %arg20[%swap3A_94, %swap3A_95], %broadcast_in_dim3A_93 {strides = array<i32>} : memref<64x384xf32, #tpu.memory_space<vmem>>, vector<64x384xf32>,
      %broadcast_in_dim3A_97 = arith.constant 0.000000e+00 : f32
      %broadcast_in_dim3A_98 = vector.broadcast %broadcast_in_dim3A_97 : f32 to vector<64x128xf32>
      %swap3A_99 = arith.constant 0 : index
      %swap3A_100 = arith.constant 0 : index
      %swap3A_101 = vector.load %arg21[%swap3A_99, %swap3A_100] : memref<64x128xf32, #tpu.memory_space<vmem>>, vector<64x128xf32>
      tpu.vector_store %arg21[%swap3A_99, %swap3A_100], %broadcast_in_dim3A_98 {strides = array<i32>} : memref<64x128xf32, #tpu.memory_space<vmem>>, vector<64x128xf32>,
    } else {
    }
    %get3A_72 = arith.constant 0 : index
    %get3A_73 = arith.constant 0 : index
    %get3A_74 = vector.load %arg20[%get3A_72, %get3A_73] : memref<64x384xf32, #tpu.memory_space<vmem>>, vector<64x384xf32>
    %add3A_75 = arith.addf %get3A_74, %dot_general3A_66 : vector<64x384xf32>
    %swap3A = arith.constant 0 : index
    %swap3A_76 = arith.constant 0 : index
    %swap3A_77 = vector.load %arg20[%swap3A, %swap3A_76] : memref<64x384xf32, #tpu.memory_space<vmem>>, vector<64x384xf32>
    tpu.vector_store %arg20[%swap3A, %swap3A_76], %add3A_75 {strides = array<i32>} : memref<64x384xf32, #tpu.memory_space<vmem>>, vector<64x384xf32>,
    %get3A_78 = arith.constant 0 : index
    %get3A_79 = arith.constant 0 : index
    %get3A_80 = vector.load %arg21[%get3A_78, %get3A_79] : memref<64x128xf32, #tpu.memory_space<vmem>>, vector<64x128xf32>
    %broadcast_in_dim3A_81 = vector.shape_cast %broadcast_in_dim3A : vector<64x1xf32> to vector<64x1xf32>
    %broadcast_in_dim3A_82 = vector.broadcast %broadcast_in_dim3A_81 : vector<64x1xf32> to vector<64x128xf32>
    %add3A_83 = arith.addf %get3A_80, %broadcast_in_dim3A_82 : vector<64x128xf32>
    %swap3A_84 = arith.constant 0 : index
    %swap3A_85 = arith.constant 0 : index
    %swap3A_86 = vector.load %arg21[%swap3A_84, %swap3A_85] : memref<64x128xf32, #tpu.memory_space<vmem>>, vector<64x128xf32>
    tpu.vector_store %arg21[%swap3A_84, %swap3A_85], %add3A_83 {strides = array<i32>} : memref<64x128xf32, #tpu.memory_space<vmem>>, vector<64x128xf32>,
    %eq3A_87 = arith.constant 9 : i32
    %eq3A_88 = arith.cmpi eq, %arg0, %eq3A_87 : i32
    %convert_element_type3A_89 = arith.extui %eq3A_88 : i1 to i32
    %cond3A_90 = arith.constant 0 : i32
    %cond3A_91 = arith.cmpi ne, %convert_element_type3A_89, %cond3A_90 : i32
    scf.if %cond3A_91 {
      %get3A_92 = arith.constant 0 : index
      %get3A_93 = arith.constant 0 : index
      %get3A_94 = vector.load %arg21[%get3A_92, %get3A_93] : memref<64x128xf32, #tpu.memory_space<vmem>>, vector<64x128xf32>
      %max3A_95 = arith.constant 1.000000e+00 : f32
      %max3A_96 = vector.broadcast %max3A_95 : f32 to vector<64x128xf32>
      %max3A_97 = arith.maximumf %get3A_94, %max3A_96 : vector<64x128xf32>
      %get3A_98 = arith.constant 0 : index
      %get3A_99 = arith.constant 0 : index
      %get3A_100 = vector.load %arg20[%get3A_98, %get3A_99] : memref<64x384xf32, #tpu.memory_space<vmem>>, vector<64x384xf32>
      %concatenate3A_101 = tpu.concatenate %max3A_97, %max3A_97, %max3A_97 in 1 : vector<64x128xf32>, vector<64x128xf32>, vector<64x128xf32> -> vector<64x384xf32>
      %div3A = arith.divf %get3A_100, %concatenate3A_101 : vector<64x384xf32>
      %get3A_102 = arith.constant 0 : index
      %get3A_103 = arith.constant 0 : index
      %get3A_104 = vector.load %arg12[%get3A_102, %get3A_103] : memref<64x128xf32, #tpu.memory_space<vmem>>, vector<64x128xf32>
      %concatenate3A_105 = tpu.concatenate %div3A, %get3A_104 in 1 : vector<64x384xf32>, vector<64x128xf32> -> vector<64x512xf32>
      %get3A_106 = arith.constant 0 : index
      %get3A_107 = arith.constant 0 : index
      %get3A_108 = vector.load %arg13[%get3A_106, %get3A_107] : memref<512x256xf32, #tpu.memory_space<vmem>>, vector<512x256xf32>
      %dot_general3A_109 = arith.constant dense<0.000000e+00> : vector<64x256xf32>
      %dot_general3A_110 = tpu.matmul %concatenate3A_105, %get3A_108, %dot_general3A_109 {dimension_numbers = #tpu.dot_dimension_numbers<[1], [0], [0], [1], [0, 0, 1, 1], [], []>, precision = #tpu.contract_precision<fp32>, transpose_lhs_hint = false} : vector<64x512xf32>, vector<512x256xf32>, vector<64x256xf32> -> vector<64x256xf32>
      %get3A_111 = arith.constant 0 : index
      %get3A_112 = arith.constant 0 : index
      %get3A_113 = vector.load %arg14[%get3A_111, %get3A_112] : memref<1x256xf32, #tpu.memory_space<vmem>>, vector<1x256xf32>
      %add3A_114 = vector.broadcast %get3A_113 : vector<1x256xf32> to vector<64x256xf32>
      %add3A_115 = arith.addf %dot_general3A_110, %add3A_114 : vector<64x256xf32>
      %max3A_116 = arith.constant 0.000000e+00 : f32
      %max3A_117 = vector.broadcast %max3A_116 : f32 to vector<64x256xf32>
      %max3A_118 = arith.maximumf %add3A_115, %max3A_117 : vector<64x256xf32>
      %get3A_119 = arith.constant 0 : index
      %get3A_120 = arith.constant 0 : index
      %get3A_121 = vector.load %arg15[%get3A_119, %get3A_120] : memref<256x128xf32, #tpu.memory_space<vmem>>, vector<256x128xf32>
      %dot_general3A_122 = arith.constant dense<0.000000e+00> : vector<64x128xf32>
      %dot_general3A_123 = tpu.matmul %max3A_118, %get3A_121, %dot_general3A_122 {dimension_numbers = #tpu.dot_dimension_numbers<[1], [0], [0], [1], [0, 0, 1, 1], [], []>, precision = #tpu.contract_precision<fp32>, transpose_lhs_hint = false} : vector<64x256xf32>, vector<256x128xf32>, vector<64x128xf32> -> vector<64x128xf32>
      %get3A_124 = arith.constant 0 : index
      %get3A_125 = arith.constant 0 : index
      %get3A_126 = vector.load %arg16[%get3A_124, %get3A_125] : memref<1x128xf32, #tpu.memory_space<vmem>>, vector<1x128xf32>
      %add3A_127 = vector.broadcast %get3A_126 : vector<1x128xf32> to vector<64x128xf32>
      %add3A_128 = arith.addf %dot_general3A_123, %add3A_127 : vector<64x128xf32>
      %max3A_129 = arith.constant 0.000000e+00 : f32
      %max3A_130 = vector.broadcast %max3A_129 : f32 to vector<64x128xf32>
      %max3A_131 = arith.maximumf %add3A_128, %max3A_130 : vector<64x128xf32>
      %get3A_132 = arith.constant 0 : index
      %get3A_133 = arith.constant 0 : index
      %get3A_134 = vector.load %arg17[%get3A_132, %get3A_133] : memref<128x16xf32, #tpu.memory_space<vmem>>, vector<128x16xf32>
      %dot_general3A_135 = arith.constant dense<0.000000e+00> : vector<64x16xf32>
      %dot_general3A_136 = tpu.matmul %max3A_131, %get3A_134, %dot_general3A_135 {dimension_numbers = #tpu.dot_dimension_numbers<[1], [0], [0], [1], [0, 0, 1, 1], [], []>, precision = #tpu.contract_precision<fp32>, transpose_lhs_hint = false} : vector<64x128xf32>, vector<128x16xf32>, vector<64x16xf32> -> vector<64x16xf32>
      %get3A_137 = arith.constant 0 : index
      %get3A_138 = arith.constant 0 : index
      %get3A_139 = vector.load %arg18[%get3A_137, %get3A_138] : memref<1x16xf32, #tpu.memory_space<vmem>>, vector<1x16xf32>
      %add3A_140 = vector.broadcast %get3A_139 : vector<1x16xf32> to vector<64x16xf32>
      %add3A_141 = arith.addf %dot_general3A_136, %add3A_140 : vector<64x16xf32>
      %reduce_max3A = arith.constant dense<0xFF800000> : vector<64xf32>
      %reduce_max3A_142 = vector.multi_reduction <maximumf>, %add3A_141, %reduce_max3A [1] : vector<64x16xf32> to vector<64xf32>
      %broadcast_in_dim3A_143 = vector.shape_cast %reduce_max3A_142 : vector<64xf32> to vector<64x1xf32>
      %sub3A = vector.broadcast %broadcast_in_dim3A_143 : vector<64x1xf32> to vector<64x16xf32>
      %sub3A_144 = arith.subf %add3A_141, %sub3A : vector<64x16xf32>
      %exp3A = math.exp %sub3A_144 : vector<64x16xf32>
      %reduce_sum3A_145 = arith.constant dense<0.000000e+00> : vector<64xf32>
      %reduce_sum3A_146 = vector.multi_reduction <add>, %exp3A, %reduce_sum3A_145 [1] : vector<64x16xf32> to vector<64xf32>
      %broadcast_in_dim3A_147 = vector.shape_cast %reduce_sum3A_146 : vector<64xf32> to vector<64x1xf32>
      %log3A = math.log %broadcast_in_dim3A_147 : vector<64x1xf32>
      %add3A_148 = arith.addf %log3A, %broadcast_in_dim3A_143 : vector<64x1xf32>
      %sub3A_149 = vector.broadcast %add3A_148 : vector<64x1xf32> to vector<64x16xf32>
      %sub3A_150 = arith.subf %add3A_141, %sub3A_149 : vector<64x16xf32>
      %swap3A_151 = arith.constant 0 : index
      %swap3A_152 = arith.constant 0 : index
      %swap3A_153 = vector.load %arg19[%swap3A_151, %swap3A_152] : memref<64x16xf32, #tpu.memory_space<vmem>>, vector<64x16xf32>
      tpu.vector_store %arg19[%swap3A_151, %swap3A_152], %sub3A_150 {strides = array<i32>} : memref<64x16xf32, #tpu.memory_space<vmem>>, vector<64x16xf32>,
    } else {
    }
    return
  }
  func.func @transform_0(%arg0: i32) -> i32 {
    %c0_i32 = arith.constant 0 : i32
    %c0_i32_0 = arith.constant 0 : i32
    return %c0_i32 : i32
  }
  func.func @transform_1(%arg0: i32) -> (i32, i32) {
    %c0_i32 = arith.constant 0 : i32
    %c0_i32_0 = arith.constant 0 : i32
    return %arg0, %c0_i32 : i32, i32
  }
  func.func @transform_2(%arg0: i32) -> (i32, i32, i32) {
    %c0_i32 = arith.constant 0 : i32
    %c0_i32_0 = arith.constant 0 : i32
    %c0_i32_1 = arith.constant 0 : i32
    return %c0_i32, %arg0, %c0_i32_0 : i32, i32, i32
  }
  func.func @transform_3(%arg0: i32) -> (i32, i32) {
    %c0_i32 = arith.constant 0 : i32
    %c0_i32_0 = arith.constant 0 : i32
    %c0_i32_1 = arith.constant 0 : i32
    return %c0_i32, %c0_i32_0 : i32, i32
  }
  func.func @transform_4(%arg0: i32) -> (i32, i32) {
    %c0_i32 = arith.constant 0 : i32
    %c0_i32_0 = arith.constant 0 : i32
    %c0_i32_1 = arith.constant 0 : i32
    return %c0_i32, %c0_i32_0 : i32, i32
  }
  func.func @transform_5(%arg0: i32) -> (i32, i32) {
    %c0_i32 = arith.constant 0 : i32
    %c0_i32_0 = arith.constant 0 : i32
    %c0_i32_1 = arith.constant 0 : i32
    return %c0_i32, %c0_i32_0 : i32, i32
  }
  func.func @transform_6(%arg0: i32) -> (i32, i32) {
    %c0_i32 = arith.constant 0 : i32
    %c0_i32_0 = arith.constant 0 : i32
    %c0_i32_1 = arith.constant 0 : i32
    return %c0_i32, %c0_i32_0 : i32, i32
  }
  func.func @transform_7(%arg0: i32) -> (i32, i32) {
    %c0_i32 = arith.constant 0 : i32
    %c0_i32_0 = arith.constant 0 : i32
    %c0_i32_1 = arith.constant 0 : i32
    return %c0_i32, %c0_i32_0 : i32, i32
  }
  func.func @transform_8(%arg0: i32) -> (i32, i32) {
    %c0_i32 = arith.constant 0 : i32
    %c0_i32_0 = arith.constant 0 : i32
    %c0_i32_1 = arith.constant 0 : i32
    return %c0_i32, %c0_i32_0 : i32, i32
  }
  func.func @transform_9(%arg0: i32) -> (i32, i32) {
    %c0_i32 = arith.constant 0 : i32
    %c0_i32_0 = arith.constant 0 : i32
    return %arg0, %c0_i32 : i32, i32
  }
  func.func @transform_10(%arg0: i32) -> (i32, i32, i32) {
    %c0_i32 = arith.constant 0 : i32
    %c0_i32_0 = arith.constant 0 : i32
    %c0_i32_1 = arith.constant 0 : i32
    return %arg0, %c0_i32, %c0_i32_0 : i32, i32, i32
  }
  func.func @transform_11(%arg0: i32) -> (i32, i32) {
    %c0_i32 = arith.constant 0 : i32
    %c0_i32_0 = arith.constant 0 : i32
    %c0_i32_1 = arith.constant 0 : i32
    return %c0_i32, %c0_i32_0 : i32, i32
  }
  func.func @transform_12(%arg0: i32) -> (i32, i32) {
    %c0_i32 = arith.constant 0 : i32
    %c0_i32_0 = arith.constant 0 : i32
    %c0_i32_1 = arith.constant 0 : i32
    return %c0_i32, %c0_i32_0 : i32, i32
  }
  func.func @transform_13(%arg0: i32) -> (i32, i32) {
    %c0_i32 = arith.constant 0 : i32
    %c0_i32_0 = arith.constant 0 : i32
    %c0_i32_1 = arith.constant 0 : i32
    return %c0_i32, %c0_i32_0 : i32, i32
  }
  func.func @transform_14(%arg0: i32) -> (i32, i32) {
    %c0_i32 = arith.constant 0 : i32
    %c0_i32_0 = arith.constant 0 : i32
    %c0_i32_1 = arith.constant 0 : i32
    return %c0_i32, %c0_i32_0 : i32, i32
  }
  func.func @transform_15(%arg0: i32) -> (i32, i32) {
    %c0_i32 = arith.constant 0 : i32
    %c0_i32_0 = arith.constant 0 : i32
    %c0_i32_1 = arith.constant 0 : i32
    return %c0_i32, %c0_i32_0 : i32, i32
  }
  func.func @transform_16(%arg0: i32) -> (i32, i32) {
    %c0_i32 = arith.constant 0 : i32
    %c0_i32_0 = arith.constant 0 : i32
    %c0_i32_1 = arith.constant 0 : i32
    return %c0_i32, %c0_i32_0 : i32, i32
  }
  func.func @transform_17(%arg0: i32) -> (i32, i32) {
    %c0_i32 = arith.constant 0 : i32
    %c0_i32_0 = arith.constant 0 : i32
    %c0_i32_1 = arith.constant 0 : i32
    return %c0_i32, %c0_i32_0 : i32, i32
  }
  func.func @transform_18(%arg0: i32) -> (i32, i32) {
    %c0_i32 = arith.constant 0 : i32
    %c0_i32_0 = arith.constant 0 : i32
    %c0_i32_1 = arith.constant 0 : i32
    return %c0_i32, %c0_i32_0 : i32, i32
  }
}

</mosaic_0001>

<sc_bundles>
// kernel: kernel.11.cloned.1.call-start
scs
__scs_entry_jumppad:
0x0: {  	(pc) =	sbr.rel $0x88, $3  }
0x1: {  	(tag) =	ssettag $0x0;
	lr =	simm.s32 $0x1  }
0x2: {  	[smem:$0x3F82] =	sst lr;
	_ =	strace $0xD0000000  }
0x3: {  	_ = 	snop  }
0x4: {  	_ = 	snop  }
0x5: {  	_ = 	snop  }
0x6: {  	_ = 	snop  }
0x7: {  	_ = 	snop  }
__scs_overlays_trampoline_lowered:
0x8: {  	[smem:$0x3F91] =	sst s0  }
0x9: {  	[smem:$0x3F92] =	sst s1  }
0xa: {  	[smem:$0x3F93] =	sst s2  }
0xb: {  	[smem:$0x3F94] =	sst s3  }
0xc: {  	[smem:$0x3F95] =	sst s4  }
0xd: {  	[smem:$0x3F96] =	sst s5  }
0xe: {  	[smem:$0x3F97] =	sst s6  }
0xf: {  	[smem:$0x3F98] =	sst s7  }
0x10: {  	[smem:$0x3F99] =	sst s8  }
0x11: {  	[smem:$0x3F9A] =	sst s9;
	s0 =	simm.s32 @!p0 $0x0  }
0x12: {  	s1 =	sld [smem:$0x3F80];
	s0 =	simm.s32 @p0 $0x1  }
0x13: {  	[smem:$0x3F9B] =	sst s0;
	s0 =	simm.s32 @!p1 $0x0  }
0x14: {  	s2 =	sld [smem:$0x3F7F];
	s0 =	simm.s32 @p1 $0x1  }
0x15: {  	[smem:$0x3F9C] =	sst s0;
	s0 =	simm.s32 @!p2 $0x0  }
0x16: {  	s3 =	sld [smem:$0x3FDB];
	s0 =	simm.s32 @p2 $0x1  }
0x17: {  	s4 =	simm.s32 $0x1BF5;
	[smem:$0x3F9E] =	sst s0  }
0x18: {  	s0 =	sld [smem:$0x3F81];
	_ =	swait.ge [sflag:s4], $0x0  }
0x19: {  	s7 =	sld [smem:$0x3F82]  }
0x1a: {  	s8 =	sadd.s32 $0xFFFFE003, lr  }
0x1b: {  	s9 =	sadd.s32 $0xFFFFFEF7, lr;
	s5 =	simm.s32 $0xFFFFFFFF;
	p2 =	slt.u32 s8, $0xFFFFF086  }
0x1c: {  	p1 =	slt.u32 s9, $0xF7A;
	s5 =	simm.s32 @!p2 $0x0  }
0x1d: {  	s5 =	simm.s32 @p1 $0x1;
	p0 =	seq.s32 s7, s2  }
0x1e: {  	s7 =	smul.u32 @!p0 $0xF7A, s2;
	p2 =	seq.s32 @!p0 s5, $0x0  }
0x1f: {  	s9 =	smul.u32 $0xF7A, s1;
	s8 =	simm.s32 @!p0 $0x1BF5;
	p2 =	por !p2, p0  }
0x20: {  	[sflag:s8] =	ssyncset.s32 @!p0 $0xFFFFF086;
	s6 =	sadd.s32 @!p0 s3, s7;
	s7 =	simm.s32 @!p0 $0x108  }
0x21: {  	s3 =	sadd.s32 s3, s9;
	s6 =	sadd.s32 @!p0 $0x88, s6;
	s7 =	simm.s32 @p2 $0x1082  }
0x22: {  	[simem:s7], [sflag:s8] =	dma.local @!p0 [hbm:s6], $0xF7A  }
0x23: {  	s9 =	sor.u32 $0xD0000000, s2;
	s6 =	simm.s32 $0x108;
	_ =	swait.ge @!p0 [sflag:s8], $0x0  }
0x24: {  	s3 =	sadd.s32 $0x88, s3;
	s6 =	simm.s32 @!p1 $0x1082;
	[sflag:s4] =	ssyncset.s32 $0xFFFFF086  }
0x25: {  	[simem:s6], [sflag:s4] =	dma.local [hbm:s3], $0xF7A  }
0x26: {  	[smem:$0x3F82] =	sst s1;
	(tag) =	ssettag s2;
	_ =	strace s9  }
0x27: {  	s1 =	sld [smem:$0x3F92]  }
0x28: {  	s2 =	sld [smem:$0x3F93]  }
0x29: {  	s4 =	sld [smem:$0x3F95]  }
0x2a: {  	p0 =	seq.s32 s5, $0x0;
	s5 =	sld [smem:$0x3F96]  }
0x2b: {  	s6 =	sld [smem:$0x3F97]  }
0x2c: {  	s7 =	sld [smem:$0x3F98]  }
0x2d: {  	s3 =	simm.s32 $0x108;
	s8 =	sld [smem:$0x3F99]  }
0x2e: {  	s3 =	simm.s32 @!p0 $0x1082;
	s9 =	sld [smem:$0x3F9A]  }
0x2f: {  	lr =	sadd.s32 s0, s3;
	s0 =	sld [smem:$0x3F91]  }
0x30: {  	s3 =	sld [smem:$0x3F94]  }
0x31: {  	[smem:$0x3F9D] =	sst s10  }
0x32: {  	s10 =	sld [smem:$0x3F9B];
	_ =	sdelay $0x3  }
0x33: {  	p0 =	seq.s32 s10, $0x1;
	s10 =	sld [smem:$0x3F9D];
	_ =	sdelay $0x3  }
0x34: {  	[smem:$0x3F9D] =	sst s10  }
0x35: {  	s10 =	sld [smem:$0x3F9C];
	_ =	sdelay $0x3  }
0x36: {  	p1 =	seq.s32 s10, $0x1;
	s10 =	sld [smem:$0x3F9D];
	_ =	sdelay $0x3  }
0x37: {  	[smem:$0x3F9D] =	sst s10  }
0x38: {  	s10 =	sld [smem:$0x3F9E]  }
0x39: {  	_ = 	snop;
	(pc) =	sbr.ind lr, $3  }
0x3a: {  	_ = 	snop  }
0x3b: {  	_ = 	snop  }
0x3c: {  	p2 =	seq.s32 s10, $0x1;
	s10 =	sld [smem:$0x3F9D]  }
0x3d: {  	_ =	shalt  }
0x3e: {  	_ =	shalt  }
0x3f: {  	_ =	shalt  }
0x40: {  	_ =	shalt  }
0x41: {  	_ =	shalt  }
0x42: {  	_ =	shalt  }
0x43: {  	_ =	shalt  }
0x44: {  	_ =	shalt  }
0x45: {  	_ =	shalt  }
0x46: {  	_ =	shalt  }
0x47: {  	_ =	shalt  }
0x48: {  	_ =	shalt  }
0x49: {  	_ =	shalt  }
0x4a: {  	_ =	shalt  }
0x4b: {  	_ =	shalt  }
0x4c: {  	_ =	shalt  }
0x4d: {  	_ =	shalt  }
0x4e: {  	_ =	shalt  }
0x4f: {  	_ =	shalt  }
0x50: {  	_ =	shalt  }
0x51: {  	_ =	shalt  }
0x52: {  	_ =	shalt  }
0x53: {  	_ =	shalt  }
0x54: {  	_ =	shalt  }
0x55: {  	_ =	shalt  }
0x56: {  	_ =	shalt  }
0x57: {  	_ =	shalt  }
0x58: {  	_ =	shalt  }
0x59: {  	_ =	shalt  }
0x5a: {  	_ =	shalt  }
0x5b: {  	_ =	shalt  }
0x5c: {  	_ =	shalt  }
0x5d: {  	_ =	shalt  }
0x5e: {  	_ =	shalt  }
0x5f: {  	_ =	shalt  }
0x60: {  	_ =	shalt  }
0x61: {  	_ =	shalt  }
0x62: {  	_ =	shalt  }
0x63: {  	_ =	shalt  }
0x64: {  	_ =	shalt  }
0x65: {  	_ =	shalt  }
0x66: {  	_ =	shalt  }
0x67: {  	_ =	shalt  }
0x68: {  	_ =	shalt  }
0x69: {  	_ =	shalt  }
0x6a: {  	_ =	shalt  }
0x6b: {  	_ =	shalt  }
0x6c: {  	_ =	shalt  }
0x6d: {  	_ =	shalt  }
0x6e: {  	_ =	shalt  }
0x6f: {  	_ =	shalt  }
0x70: {  	_ =	shalt  }
0x71: {  	_ =	shalt  }
0x72: {  	_ =	shalt  }
0x73: {  	_ =	shalt  }
0x74: {  	_ =	shalt  }
0x75: {  	_ =	shalt  }
0x76: {  	_ =	shalt  }
0x77: {  	_ =	shalt  }
0x78: {  	_ =	shalt  }
0x79: {  	_ =	shalt  }
0x7a: {  	_ =	shalt  }
0x7b: {  	_ =	shalt  }
0x7c: {  	_ =	shalt  }
0x7d: {  	_ =	shalt  }
0x7e: {  	_ =	shalt  }
0x7f: {  	_ =	shalt  }
0x80: {  	_ =	shalt  }
0x81: {  	_ =	shalt  }
0x82: {  	_ =	shalt  }
0x83: {  	_ =	shalt  }
0x84: {  	_ =	shalt  }
0x85: {  	_ =	shalt  }
0x86: {  	_ =	shalt  }
0x87: {  	_ =	shalt  }
.Lfunc_end0:
.L_simem_size_0:
called_computation.1_lowered:
.L_overlay_start_0:
0x88: {  	s2 =	sld [smem:$0x3FD9]  }
0x89: {  	s3 =	sld [smem:$0x3FFE];
	_ =	sdelay $0x1  }
0x8a: {  	s1 =	srdreg.scid  }
0x8b: {  	s0 =	sand.u32 $0x1, s1  }
0x8c: {  	s16 =	sshll.u32 s0, $0xA;
	s2 =	sadd.s32 s3, s2  }
0x8d: {  	s2 =	sadd.s32 s2, s16  }
0x8e: {  	[smem:$0x3FA9] =	sst s2  }
0x8f: {  	_ = 	snop  }
0x90: {  	(tm) =	ssettm $0x1  }
0x91: {  	s17 =	sld [smem:$0x3FFB];
	_ =	sdelay $0x3  }
0x92: {  	_ =	strace s17  }
0x93: {  	s2 =	sld [smem:$0x3FFC];
	_ =	sdelay $0x3  }
0x94: {  	_ =	strace s2  }
0x95: {  	s2 =	sld [smem:$0x3FFD];
	_ =	sdelay $0x3  }
0x96: {  	_ =	strace s2  }
0x97: {  	_ =	strace $0x8FFFFFFF  }
0x98: {  	s18 =	sld [smem:$0x3FDB];
	_ =	sdelay $0x1  }
0x99: {  	s19 =	simm.s32 $_scs_section_size  }
0x9a: {  	s4 =	simm.s32 $_size__tile_overlayer_lowered;
	s5 =	simm.s32 $_tile_overlayer_lowered  }
0x9b: {  	s22 =	simm.s32 $0x1BFF;
	s21 =	sshll.u32 s5, $0x1;
	s2 =	sadd.s32 s19, s18  }
0x9c: {  	s6 =	simm.s32 $0x0;
	s20 =	sshll.u32 s4, $0x1;
	s4 =	sadd.s32 s21, s2  }
0x9d: {  	[timem:s6], [sflag:s22] =	dma.local [hbm:s4], s20  }
0x9e: {  	_ =	swait.ge [sflag:s22], s20  }
0x9f: {  	s3 =	ssub.s32 $0x0, s20;
	[sflag:s22] =	ssyncset.done $0x0  }
0xa0: {  	[sflag:s22] =	ssyncadd.s32 s3;
	_ =	sdelay $0x1  }
0xa1: {  	s23 =	simm.s32 $0x1B8B  }
0xa2: {  	_ =	swait.ge [sflag:s23], $0x1  }
0xa3: {  	[sflag:s23] =	ssyncset.done $0x0  }
0xa4: {  	s25 =	simm.s32 $0x1B8E;
	s24 =	sld [smem:$0x3FFE];
	[sflag:s23] =	ssyncadd.s32 $0xFFFFFFFF  }
0xa5: {  	s26 =	simm.s32 $execute0_lowered;
	[smem:$0x3FD2] =	sst s25  }
0xa6: {  	s4 =	sshll.u32 s26, $0x1;
	_ =	strace $0x80000049;
	[dreg:$0x1] =	wrdreg $0xFFFFFFFF  }
0xa7: {  	s28 =	simm.s32 $_size_execute0_lowered;
	s2 =	sadd.s32 s2, s4;
	[dreg:$0x0] =	wrdreg $0x0  }
0xa8: {  	s4 =	sshll.u32 s28, $0x1;
	[dreg:$0x2] =	wrdreg s2  }
0xa9: {  	[dreg:$0x3] =	wrdreg s4  }
0xaa: {  	[dreg:$0x4] =	wrdreg $0xC0  }
0xab: {  	_ =	task [dreg:s6], $0x5FFFF  }
0xac: {  	[dreg:$0x1] =	wrdreg $0xFFFFFFFF  }
0xad: {  	[dreg:$0x0] =	wrdreg $0x60  }
0xae: {  	[dreg:$0x2] =	wrdreg s24  }
0xaf: {  	[dreg:$0x3] =	wrdreg $0x90000  }
0xb0: {  	[dreg:$0x4] =	wrdreg $0x9  }
0xb1: {  	_ =	task.clear_ibuf [dreg:s6], $0x5FFFF;
	_ =	strace $0x90000049  }
0xb2: {  	s29 =	simm.s32 $0x9;
	_ =	strace $0x8000004B  }
0xb3: {  	_ =	swait.ge [sflag:s29], $0x1  }
0xb4: {  	[sflag:s29] =	ssyncadd.s32 $0xFFFFFFFF  }
0xb5: {  	_ =	strace $0x9000004B  }
0xb6: {  	_ =	sfence  }
0xb7: {  	s30 =	sld [smem:$0x0];
	_ =	sdelay $0x2  }
0xb8: {  	s31 =	sshll.u32 s1, $0xD;
	s1 =	sshrl.u32 s1, $0x2  }
0xb9: {  	s3 =	sand.u32 $0x4000, s31;
	s1 =	sadd.s32 s1, s30  }
0xba: {  	s0 =	sor.u32 s3, s0;
	s1 =	sshll.u32 s1, $0x11  }
0xbb: {  	s0 =	sor.u32 s1, s0  }
0xbc: {  	s0 =	sadd.s32 $0x8F2B, s0  }
0xbd: {  	[sflag:s0] =	ssyncadd.remote.s32 $0x1  }
0xbe: {  	_ =	sfence.sel $0xFFFF  }
0xbf: {  	[dreg:$0x0] =	wrdreg $0xFFFFFFFF;
	(pc) =	sbr.abs _section_cstart, $3  }
0xc0: {  	[dreg:$0x1] =	wrdreg $0xFFFFFFFF  }
0xc1: {  	_ =	task.clear_ibuf [dreg:s6], $0x2FFFF;
	_ =	strace $0x9FFFFFFF  }
0xc2: {  	(tm) =	ssettm $0x7FFFFFFF  }
0xc3: {  	_ =	shalt  }
tec
execute0_lowered:
.L_overlay_start_1:
0x0: {  	(tag) =	ssettag $0x1  }
0x1: {  	s5 =	rddreg [dreg:$0x0]  }
0x2: {  	s0 =	srdreg.scid;
	s2 =	rddreg [dreg:$0x1]  }
0x3: {  	s1 =	rddreg [dreg:$0x2];
	s3 =	simm.s32 $0x0;
	s6 =	sand.u32 $0x1, s0  }
0x4: {  	s14 =	simm.s32 $0x80;
	s0 =	stileid.u32;
	s4 =	smul.u32 $0x28000, s6  }
0x5: {  	s15 =	simm.s32 $0x5000;
	s16 =	simm.s32 $0x1;
	s7 =	smul.u32 $0x2800, s0  }
0x6: {  	s17 =	simm.s32 $0x0;
	[smem:$0x7FF] =	sst s3;
	s28 =	smul.u32 $0x13C00, s0  }
0x7: {  	_ =	strace $0x8000004A;
	s9 =	smul.u32 $0x13C000, s6;
	s6 =	ssub.s32 $0x2, s6  }
0x8: {  	s29 =	smul.u32 $0x4F000, s0;
	s31 =	sshll.u32 s0, $0x6;
	s11 =	sshrl.u32 s6, $0x1  }
0x9: {  	s4 =	sadd.s32 s7, s4;
	s10 =	sshrl.u32 s28, $0x3;
	s7 =	sadd.s32 s28, s9  }
0xa: {  	s11 =	ssub.s32 s6, s11;
	s30 =	sshrl.u32 s29, $0x2;
	s6 =	sor.u32 $0x1C02, s31  }
0xb: {  	s8 =	sshrl.u32 s4, $0x3;
	s4 =	sadd.s32 $0x40600, s5;
	s10 =	sadd.s32 s10, s5  }
0xc: {  	s7 =	sshrl.u32 s7, $0x3;
	s13 =	sadd.s32 s30, s2;
	s8 =	sadd.s32 s8, s5  }
0xd: {  	s12 =	sadd.s32 s7, s5;
	s5 =	sadd.s32 $0x18E00, s10;
	s10 =	smax.u32 s11, $0x1  }
0xe: {  	s11 =	sshrl.u32 s13, $0x3;
	s13 =	simm.s32 $0x2800;
	s7 =	sadd.s32 $0x4E00, s8  }
0xf: {  	s8 =	sadd.s32 $0xEE00, s8;
	s9 =	sadd.s32 $0x67800, s12;
	s12 =	simm.s32 $0x2  }
.LBB2_1:
0x10: {  	[spmem:s11], [sflag:s6] =	dma.local [hbm:s5], $0x2780  }
0x11: {  	_ =	swait.ge [sflag:s12], $0x2780  }
0x12: {  	[sflag:s12] =	ssyncset.done $0x0  }
0x13: {  	[sflag:s12] =	ssyncadd.s32 $0xFFFFD880  }
0x14: {  	[tilespmem:s3], [sflag:$0x2] =	stream.linear.gather [hbm4b:s7+s3], $0x2780, $0x38;
	[tilespmem:$0x1CC00] =	vst v63  }
0x15: {  	_ =	swait.ge [sflag:s12], $0x2780  }
0x16: {  	[sflag:s12] =	ssyncset.done $0x0  }
0x17: {  	[sflag:s12] =	ssyncadd.s32 $0xFFFFD880  }
0x18: {  	[tilespmem:s13], [sflag:$0x2] =	stream.linear.gather [hbm4b:s8+s3], $0x2780, $0x38;
	[tilespmem:$0x1CC00] =	vst v63  }
0x19: {  	_ =	swait.ge [sflag:s12], $0x2780  }
0x1a: {  	[sflag:s12] =	ssyncset.done $0x0  }
0x1b: {  	[sflag:s12] =	ssyncadd.s32 $0xFFFFD880  }
0x1c: {  	s18 =	simm.s32 $0x0;
	[bflag:$0x0] =	sbarrier.arrive $0xFFFF  }
0x1d: {  	[tilespmem:s15], [sflag:$0x1] =	stream.indirect.gather [hbm4b:s4+s14], $0x80, s18, s14, $0xb8;
	[tilespmem:$0x1CC00] =	vst v63  }
0x1e: {  	_ =	swait.ge [sflag:s16], $0x4000  }
0x1f: {  	[sflag:s16] =	ssyncset.done $0x0  }
0x20: {  	s31 =	simm.s32 $0x2800;
	[sflag:s16] =	ssyncadd.s32 $0xFFFFC000  }
0x21: {  	[spmem:s2] =	stream.indirect.scatter.add.f32 [tilespmem:s15], [sflag:$0x2], $0x80, s31, s14, $0xb8;
	[tilespmem:$0x1CC00] =	vst v63  }
0x22: {  	_ =	swait.ge [sflag:s12], $0x4000  }
0x23: {  	s19 =	simm.s32 $0x400;
	s18 =	simm.s32 $0x200;
	[sflag:s12] =	ssyncset.done $0x0  }
.LBB2_2:
0x24: {  	s20 =	sshra.s32 s18, $0x2  }
0x25: {  	[sflag:s12] =	ssyncadd.s32 $0xFFFFC000;
	s18 =	smov.u32 s19;
	s21 =	sadd.s32 $0x200, s19  }
0x26: {  	[tilespmem:s15], [sflag:$0x1] =	stream.indirect.gather [hbm4b:s4+s14], $0x80, s20, s14, $0xb8;
	[tilespmem:$0x1CC00] =	vst v63  }
0x27: {  	p0 =	sne.s32 s19, $0x9C00;
	_ =	swait.ge [sflag:s16], $0x4000  }
.Ltmp0:
0x28: {  	[sflag:s16] =	ssyncset.done $0x0;
	(pc) =	sbr.rel @p0 .LBB2_2-.Ltmp0, $4  }
0x29: {  	s19 =	sadd.s32 $0x2800, s20;
	[sflag:s16] =	ssyncadd.s32 $0xFFFFC000  }
0x2a: {  	[spmem:s2] =	stream.indirect.scatter.add.f32 [tilespmem:s15], [sflag:$0x2], $0x80, s19, s14, $0xb8;
	[tilespmem:$0x1CC00] =	vst v63  }
0x2b: {  	_ =	swait.ge [sflag:s12], $0x4000  }
0x2c: {  	s19 =	smov.u32 s21;
	[sflag:s12] =	ssyncset.done $0x0  }
0x2d: {  	s18 =	sshra.s32 s18, $0x2;
	[sflag:s12] =	ssyncadd.s32 $0xFFFFC000  }
0x2e: {  	[tilespmem:s15], [sflag:$0x1] =	stream.indirect.gather [hbm4b:s4+s14], $0x80, s18, s14, $0xb8;
	[tilespmem:$0x1CC00] =	vst v63  }
0x2f: {  	_ =	swait.ge [sflag:s16], $0x4000  }
0x30: {  	[sflag:s16] =	ssyncset.done $0x0  }
0x31: {  	s18 =	sadd.s32 $0x2800, s18;
	[sflag:s16] =	ssyncadd.s32 $0xFFFFC000  }
0x32: {  	[spmem:s2] =	stream.indirect.scatter.add.f32 [tilespmem:s15], [sflag:$0x2], $0x80, s18, s14, $0xb8;
	[tilespmem:$0x1CC00] =	vst v63  }
0x33: {  	_ =	swait.ge [sflag:s12], $0x4000  }
0x34: {  	s17 =	sadd.s32 $0x1, s17;
	[sflag:s12] =	ssyncset.done $0x0  }
0x35: {  	p0 =	sne.s32 s17, s10;
	[sflag:s12] =	ssyncadd.s32 $0xFFFFC000  }
.Ltmp1:
0x36: {  	[bflag:$0x0] =	sbarrier.arrive $0xFFFF;
	(pc) =	sbr.rel @p0 .LBB2_1-.Ltmp1, $4  }
0x37: {  	[hbm:s9], [sflag:s6] =	dma.local [spmem:s11], $0x2780  }
0x38: {  	_ =	swait.ge [sflag:s12], $0x2780  }
0x39: {  	[sflag:s12] =	ssyncset.done $0x0  }
0x3a: {  	[sflag:s12] =	ssyncadd.s32 $0xFFFFD880  }
0x3b: {  	_ =	sfence.sel $0x180000  }
0x3c: {  	[bflag:$0x0] =	sbarrier.arrive $0xFFFF  }
0x3d: {  	p0 =	sne.s32 s0, $0x0;
	_ =	strace $0x9000004A  }
0x3e: {  	s0 =	sadd.s32 @!p0 $0x100000, s1;
	[bflag:$0x2] =	sbarrier.arrive $0xFFFF  }
0x3f: {  	[sflag:s0] =	ssyncadd.tile.s32 @!p0 $0x1;
	_ =	shalt  }
.Lfunc_end2:
_tile_overlayer_lowered:
.L_overlay_start_2:
0x40: {  	(tag) =	ssettag $0x2  }
0x41: {  	s0 =	rddreg [dreg:$0x0];
	s2 =	stileid.u32  }
0x42: {  	s1 =	rddreg [dreg:$0x1];
	p0 =	sne.s32 s2, $0x0  }
0x43: {  	s3 =	rddreg [dreg:$0x2];
	[bflag:$0x3] =	sbarrier.arrive $0xFFFF;
	s2 =	simm.s32 @!p0 $0x1C02  }
0x44: {  	[timem:s3], [sflag:s2] =	dma.local @!p0 [hbm:s0], s1  }
0x45: {  	s0 =	simm.s32 @!p0 $0x2  }
0x46: {  	_ =	swait.ge @!p0 [sflag:s0], s1  }
0x47: {  	s1 =	ssub.s32 @!p0 $0x0, s1;
	[sflag:s0] =	ssyncset.done @!p0 $0x0  }
0x48: {  	[sflag:s0] =	ssyncadd.s32 @!p0 s1  }
0x49: {  	[bflag:$0x3] =	sbarrier.arrive $0xFFFF  }
0x4a: {  	_ =	shalt  }

// kernel: kernel.14.cloned.1.call-start
scs
__scs_entry_jumppad:
0x0: {  	(pc) =	sbr.rel $0x88, $3  }
0x1: {  	(tag) =	ssettag $0x0;
	lr =	simm.s32 $0x1  }
0x2: {  	[smem:$0x3F82] =	sst lr;
	_ =	strace $0xD0000000  }
0x3: {  	_ = 	snop  }
0x4: {  	_ = 	snop  }
0x5: {  	_ = 	snop  }
0x6: {  	_ = 	snop  }
0x7: {  	_ = 	snop  }
__scs_overlays_trampoline_lowered:
0x8: {  	[smem:$0x3F91] =	sst s0  }
0x9: {  	[smem:$0x3F92] =	sst s1  }
0xa: {  	[smem:$0x3F93] =	sst s2  }
0xb: {  	[smem:$0x3F94] =	sst s3  }
0xc: {  	[smem:$0x3F95] =	sst s4  }
0xd: {  	[smem:$0x3F96] =	sst s5  }
0xe: {  	[smem:$0x3F97] =	sst s6  }
0xf: {  	[smem:$0x3F98] =	sst s7  }
0x10: {  	[smem:$0x3F99] =	sst s8  }
0x11: {  	[smem:$0x3F9A] =	sst s9;
	s0 =	simm.s32 @!p0 $0x0  }
0x12: {  	s1 =	sld [smem:$0x3F80];
	s0 =	simm.s32 @p0 $0x1  }
0x13: {  	[smem:$0x3F9B] =	sst s0;
	s0 =	simm.s32 @!p1 $0x0  }
0x14: {  	s2 =	sld [smem:$0x3F7F];
	s0 =	simm.s32 @p1 $0x1  }
0x15: {  	[smem:$0x3F9C] =	sst s0;
	s0 =	simm.s32 @!p2 $0x0  }
0x16: {  	s3 =	sld [smem:$0x3FDB];
	s0 =	simm.s32 @p2 $0x1  }
0x17: {  	s4 =	simm.s32 $0x1BF5;
	[smem:$0x3F9E] =	sst s0  }
0x18: {  	s0 =	sld [smem:$0x3F81];
	_ =	swait.ge [sflag:s4], $0x0  }
0x19: {  	s7 =	sld [smem:$0x3F82]  }
0x1a: {  	s8 =	sadd.s32 $0xFFFFE003, lr  }
0x1b: {  	s9 =	sadd.s32 $0xFFFFFEF7, lr;
	s5 =	simm.s32 $0xFFFFFFFF;
	p2 =	slt.u32 s8, $0xFFFFF086  }
0x1c: {  	p1 =	slt.u32 s9, $0xF7A;
	s5 =	simm.s32 @!p2 $0x0  }
0x1d: {  	s5 =	simm.s32 @p1 $0x1;
	p0 =	seq.s32 s7, s2  }
0x1e: {  	s7 =	smul.u32 @!p0 $0xF7A, s2;
	p2 =	seq.s32 @!p0 s5, $0x0  }
0x1f: {  	s9 =	smul.u32 $0xF7A, s1;
	s8 =	simm.s32 @!p0 $0x1BF5;
	p2 =	por !p2, p0  }
0x20: {  	[sflag:s8] =	ssyncset.s32 @!p0 $0xFFFFF086;
	s6 =	sadd.s32 @!p0 s3, s7;
	s7 =	simm.s32 @!p0 $0x108  }
0x21: {  	s3 =	sadd.s32 s3, s9;
	s6 =	sadd.s32 @!p0 $0x88, s6;
	s7 =	simm.s32 @p2 $0x1082  }
0x22: {  	[simem:s7], [sflag:s8] =	dma.local @!p0 [hbm:s6], $0xF7A  }
0x23: {  	s9 =	sor.u32 $0xD0000000, s2;
	s6 =	simm.s32 $0x108;
	_ =	swait.ge @!p0 [sflag:s8], $0x0  }
0x24: {  	s3 =	sadd.s32 $0x88, s3;
	s6 =	simm.s32 @!p1 $0x1082;
	[sflag:s4] =	ssyncset.s32 $0xFFFFF086  }
0x25: {  	[simem:s6], [sflag:s4] =	dma.local [hbm:s3], $0xF7A  }
0x26: {  	[smem:$0x3F82] =	sst s1;
	(tag) =	ssettag s2;
	_ =	strace s9  }
0x27: {  	s1 =	sld [smem:$0x3F92]  }
0x28: {  	s2 =	sld [smem:$0x3F93]  }
0x29: {  	s4 =	sld [smem:$0x3F95]  }
0x2a: {  	p0 =	seq.s32 s5, $0x0;
	s5 =	sld [smem:$0x3F96]  }
0x2b: {  	s6 =	sld [smem:$0x3F97]  }
0x2c: {  	s7 =	sld [smem:$0x3F98]  }
0x2d: {  	s3 =	simm.s32 $0x108;
	s8 =	sld [smem:$0x3F99]  }
0x2e: {  	s3 =	simm.s32 @!p0 $0x1082;
	s9 =	sld [smem:$0x3F9A]  }
0x2f: {  	lr =	sadd.s32 s0, s3;
	s0 =	sld [smem:$0x3F91]  }
0x30: {  	s3 =	sld [smem:$0x3F94]  }
0x31: {  	[smem:$0x3F9D] =	sst s10  }
0x32: {  	s10 =	sld [smem:$0x3F9B];
	_ =	sdelay $0x3  }
0x33: {  	p0 =	seq.s32 s10, $0x1;
	s10 =	sld [smem:$0x3F9D];
	_ =	sdelay $0x3  }
0x34: {  	[smem:$0x3F9D] =	sst s10  }
0x35: {  	s10 =	sld [smem:$0x3F9C];
	_ =	sdelay $0x3  }
0x36: {  	p1 =	seq.s32 s10, $0x1;
	s10 =	sld [smem:$0x3F9D];
	_ =	sdelay $0x3  }
0x37: {  	[smem:$0x3F9D] =	sst s10  }
0x38: {  	s10 =	sld [smem:$0x3F9E]  }
0x39: {  	_ = 	snop;
	(pc) =	sbr.ind lr, $3  }
0x3a: {  	_ = 	snop  }
0x3b: {  	_ = 	snop  }
0x3c: {  	p2 =	seq.s32 s10, $0x1;
	s10 =	sld [smem:$0x3F9D]  }
0x3d: {  	_ =	shalt  }
0x3e: {  	_ =	shalt  }
0x3f: {  	_ =	shalt  }
0x40: {  	_ =	shalt  }
0x41: {  	_ =	shalt  }
0x42: {  	_ =	shalt  }
0x43: {  	_ =	shalt  }
0x44: {  	_ =	shalt  }
0x45: {  	_ =	shalt  }
0x46: {  	_ =	shalt  }
0x47: {  	_ =	shalt  }
0x48: {  	_ =	shalt  }
0x49: {  	_ =	shalt  }
0x4a: {  	_ =	shalt  }
0x4b: {  	_ =	shalt  }
0x4c: {  	_ =	shalt  }
0x4d: {  	_ =	shalt  }
0x4e: {  	_ =	shalt  }
0x4f: {  	_ =	shalt  }
0x50: {  	_ =	shalt  }
0x51: {  	_ =	shalt  }
0x52: {  	_ =	shalt  }
0x53: {  	_ =	shalt  }
0x54: {  	_ =	shalt  }
0x55: {  	_ =	shalt  }
0x56: {  	_ =	shalt  }
0x57: {  	_ =	shalt  }
0x58: {  	_ =	shalt  }
0x59: {  	_ =	shalt  }
0x5a: {  	_ =	shalt  }
0x5b: {  	_ =	shalt  }
0x5c: {  	_ =	shalt  }
0x5d: {  	_ =	shalt  }
0x5e: {  	_ =	shalt  }
0x5f: {  	_ =	shalt  }
0x60: {  	_ =	shalt  }
0x61: {  	_ =	shalt  }
0x62: {  	_ =	shalt  }
0x63: {  	_ =	shalt  }
0x64: {  	_ =	shalt  }
0x65: {  	_ =	shalt  }
0x66: {  	_ =	shalt  }
0x67: {  	_ =	shalt  }
0x68: {  	_ =	shalt  }
0x69: {  	_ =	shalt  }
0x6a: {  	_ =	shalt  }
0x6b: {  	_ =	shalt  }
0x6c: {  	_ =	shalt  }
0x6d: {  	_ =	shalt  }
0x6e: {  	_ =	shalt  }
0x6f: {  	_ =	shalt  }
0x70: {  	_ =	shalt  }
0x71: {  	_ =	shalt  }
0x72: {  	_ =	shalt  }
0x73: {  	_ =	shalt  }
0x74: {  	_ =	shalt  }
0x75: {  	_ =	shalt  }
0x76: {  	_ =	shalt  }
0x77: {  	_ =	shalt  }
0x78: {  	_ =	shalt  }
0x79: {  	_ =	shalt  }
0x7a: {  	_ =	shalt  }
0x7b: {  	_ =	shalt  }
0x7c: {  	_ =	shalt  }
0x7d: {  	_ =	shalt  }
0x7e: {  	_ =	shalt  }
0x7f: {  	_ =	shalt  }
0x80: {  	_ =	shalt  }
0x81: {  	_ =	shalt  }
0x82: {  	_ =	shalt  }
0x83: {  	_ =	shalt  }
0x84: {  	_ =	shalt  }
0x85: {  	_ =	shalt  }
0x86: {  	_ =	shalt  }
0x87: {  	_ =	shalt  }
.Lfunc_end0:
.L_simem_size_0:
called_computation.2_lowered:
.L_overlay_start_0:
0x88: {  	s2 =	sld [smem:$0x3FD9]  }
0x89: {  	s3 =	sld [smem:$0x3FFE];
	_ =	sdelay $0x1  }
0x8a: {  	s1 =	srdreg.scid  }
0x8b: {  	s0 =	sand.u32 $0x1, s1  }
0x8c: {  	s16 =	sshll.u32 s0, $0xA;
	s2 =	sadd.s32 s3, s2  }
0x8d: {  	s2 =	sadd.s32 s2, s16  }
0x8e: {  	[smem:$0x3FA9] =	sst s2  }
0x8f: {  	_ = 	snop  }
0x90: {  	(tm) =	ssettm $0x1  }
0x91: {  	s17 =	sld [smem:$0x3FFB];
	_ =	sdelay $0x3  }
0x92: {  	_ =	strace s17  }
0x93: {  	s2 =	sld [smem:$0x3FFC];
	_ =	sdelay $0x3  }
0x94: {  	_ =	strace s2  }
0x95: {  	s2 =	sld [smem:$0x3FFD];
	_ =	sdelay $0x3  }
0x96: {  	_ =	strace s2  }
0x97: {  	_ =	strace $0x8FFFFFFF  }
0x98: {  	s18 =	sld [smem:$0x3FDB];
	_ =	sdelay $0x1  }
0x99: {  	s19 =	simm.s32 $_scs_section_size  }
0x9a: {  	s4 =	simm.s32 $_size__tile_overlayer_lowered;
	s5 =	simm.s32 $_tile_overlayer_lowered  }
0x9b: {  	s22 =	simm.s32 $0x1BFF;
	s21 =	sshll.u32 s5, $0x1;
	s2 =	sadd.s32 s19, s18  }
0x9c: {  	s6 =	simm.s32 $0x0;
	s20 =	sshll.u32 s4, $0x1;
	s4 =	sadd.s32 s21, s2  }
0x9d: {  	[timem:s6], [sflag:s22] =	dma.local [hbm:s4], s20  }
0x9e: {  	_ =	swait.ge [sflag:s22], s20  }
0x9f: {  	s3 =	ssub.s32 $0x0, s20;
	[sflag:s22] =	ssyncset.done $0x0  }
0xa0: {  	[sflag:s22] =	ssyncadd.s32 s3;
	_ =	sdelay $0x1  }
0xa1: {  	s23 =	simm.s32 $0x1B8B  }
0xa2: {  	_ =	swait.ge [sflag:s23], $0x1  }
0xa3: {  	[sflag:s23] =	ssyncset.done $0x0  }
0xa4: {  	s25 =	simm.s32 $0x1B8E;
	s24 =	sld [smem:$0x3FFE];
	[sflag:s23] =	ssyncadd.s32 $0xFFFFFFFF  }
0xa5: {  	s26 =	simm.s32 $execute0_lowered;
	[smem:$0x3FD2] =	sst s25  }
0xa6: {  	s4 =	sshll.u32 s26, $0x1;
	_ =	strace $0x8000004C;
	[dreg:$0x1] =	wrdreg $0xFFFFFFFF  }
0xa7: {  	s28 =	simm.s32 $_size_execute0_lowered;
	s2 =	sadd.s32 s2, s4;
	[dreg:$0x0] =	wrdreg $0x0  }
0xa8: {  	s4 =	sshll.u32 s28, $0x1;
	[dreg:$0x2] =	wrdreg s2  }
0xa9: {  	[dreg:$0x3] =	wrdreg s4  }
0xaa: {  	[dreg:$0x4] =	wrdreg $0xC0  }
0xab: {  	_ =	task [dreg:s6], $0x5FFFF  }
0xac: {  	[dreg:$0x1] =	wrdreg $0xFFFFFFFF  }
0xad: {  	[dreg:$0x0] =	wrdreg $0x60  }
0xae: {  	[dreg:$0x2] =	wrdreg s24  }
0xaf: {  	[dreg:$0x3] =	wrdreg $0x90000  }
0xb0: {  	[dreg:$0x4] =	wrdreg $0x9  }
0xb1: {  	_ =	task.clear_ibuf [dreg:s6], $0x5FFFF;
	_ =	strace $0x9000004C  }
0xb2: {  	s29 =	simm.s32 $0x9;
	_ =	strace $0x8000004E  }
0xb3: {  	_ =	swait.ge [sflag:s29], $0x1  }
0xb4: {  	[sflag:s29] =	ssyncadd.s32 $0xFFFFFFFF  }
0xb5: {  	_ =	strace $0x9000004E  }
0xb6: {  	_ =	sfence  }
0xb7: {  	s30 =	sld [smem:$0x0];
	_ =	sdelay $0x2  }
0xb8: {  	s31 =	sshll.u32 s1, $0xD;
	s1 =	sshrl.u32 s1, $0x2  }
0xb9: {  	s3 =	sand.u32 $0x4000, s31;
	s1 =	sadd.s32 s1, s30  }
0xba: {  	s0 =	sor.u32 s3, s0;
	s1 =	sshll.u32 s1, $0x11  }
0xbb: {  	s0 =	sor.u32 s1, s0  }
0xbc: {  	s0 =	sadd.s32 $0x8F2B, s0  }
0xbd: {  	[sflag:s0] =	ssyncadd.remote.s32 $0x1  }
0xbe: {  	_ =	sfence.sel $0xFFFF  }
0xbf: {  	[dreg:$0x0] =	wrdreg $0xFFFFFFFF;
	(pc) =	sbr.abs _section_cstart, $3  }
0xc0: {  	[dreg:$0x1] =	wrdreg $0xFFFFFFFF  }
0xc1: {  	_ =	task.clear_ibuf [dreg:s6], $0x2FFFF;
	_ =	strace $0x9FFFFFFF  }
0xc2: {  	(tm) =	ssettm $0x7FFFFFFF  }
0xc3: {  	_ =	shalt  }
tec
execute0_lowered:
.L_overlay_start_1:
0x0: {  	(tag) =	ssettag $0x1  }
0x1: {  	s5 =	rddreg [dreg:$0x0]  }
0x2: {  	s0 =	srdreg.scid;
	s2 =	rddreg [dreg:$0x1]  }
0x3: {  	s1 =	rddreg [dreg:$0x2];
	s3 =	simm.s32 $0x0;
	s6 =	sand.u32 $0x1, s0  }
0x4: {  	s14 =	simm.s32 $0x80;
	s0 =	stileid.u32;
	s4 =	smul.u32 $0x28000, s6  }
0x5: {  	s15 =	simm.s32 $0x5000;
	s16 =	simm.s32 $0x1;
	s7 =	smul.u32 $0x2800, s0  }
0x6: {  	s17 =	simm.s32 $0x0;
	[smem:$0x7FF] =	sst s3;
	s28 =	smul.u32 $0x13C00, s0  }
0x7: {  	_ =	strace $0x8000004D;
	s9 =	smul.u32 $0x13C000, s6;
	s6 =	ssub.s32 $0x2, s6  }
0x8: {  	s29 =	smul.u32 $0x4F000, s0;
	s31 =	sshll.u32 s0, $0x6;
	s11 =	sshrl.u32 s6, $0x1  }
0x9: {  	s4 =	sadd.s32 s7, s4;
	s10 =	sshrl.u32 s28, $0x3;
	s7 =	sadd.s32 s28, s9  }
0xa: {  	s11 =	ssub.s32 s6, s11;
	s30 =	sshrl.u32 s29, $0x2;
	s6 =	sor.u32 $0x1C02, s31  }
0xb: {  	s8 =	sshrl.u32 s4, $0x3;
	s4 =	sadd.s32 $0x40600, s5;
	s10 =	sadd.s32 s10, s5  }
0xc: {  	s7 =	sshrl.u32 s7, $0x3;
	s13 =	sadd.s32 s30, s2;
	s8 =	sadd.s32 s8, s5  }
0xd: {  	s12 =	sadd.s32 s7, s5;
	s5 =	sadd.s32 $0x18E00, s10;
	s10 =	smax.u32 s11, $0x1  }
0xe: {  	s11 =	sshrl.u32 s13, $0x3;
	s13 =	simm.s32 $0x2800;
	s7 =	sadd.s32 $0x4E00, s8  }
0xf: {  	s8 =	sadd.s32 $0xEE00, s8;
	s9 =	sadd.s32 $0x67800, s12;
	s12 =	simm.s32 $0x2  }
.LBB2_1:
0x10: {  	[spmem:s11], [sflag:s6] =	dma.local [hbm:s5], $0x2780  }
0x11: {  	_ =	swait.ge [sflag:s12], $0x2780  }
0x12: {  	[sflag:s12] =	ssyncset.done $0x0  }
0x13: {  	[sflag:s12] =	ssyncadd.s32 $0xFFFFD880  }
0x14: {  	[tilespmem:s3], [sflag:$0x2] =	stream.linear.gather [hbm4b:s7+s3], $0x2780, $0x38;
	[tilespmem:$0x1CC00] =	vst v63  }
0x15: {  	_ =	swait.ge [sflag:s12], $0x2780  }
0x16: {  	[sflag:s12] =	ssyncset.done $0x0  }
0x17: {  	[sflag:s12] =	ssyncadd.s32 $0xFFFFD880  }
0x18: {  	[tilespmem:s13], [sflag:$0x2] =	stream.linear.gather [hbm4b:s8+s3], $0x2780, $0x38;
	[tilespmem:$0x1CC00] =	vst v63  }
0x19: {  	_ =	swait.ge [sflag:s12], $0x2780  }
0x1a: {  	[sflag:s12] =	ssyncset.done $0x0  }
0x1b: {  	[sflag:s12] =	ssyncadd.s32 $0xFFFFD880  }
0x1c: {  	s18 =	simm.s32 $0x0;
	[bflag:$0x0] =	sbarrier.arrive $0xFFFF  }
0x1d: {  	[tilespmem:s15], [sflag:$0x1] =	stream.indirect.gather [hbm4b:s4+s14], $0x80, s18, s14, $0xb8;
	[tilespmem:$0x1CC00] =	vst v63  }
0x1e: {  	_ =	swait.ge [sflag:s16], $0x4000  }
0x1f: {  	[sflag:s16] =	ssyncset.done $0x0  }
0x20: {  	s31 =	simm.s32 $0x2800;
	[sflag:s16] =	ssyncadd.s32 $0xFFFFC000  }
0x21: {  	[spmem:s2] =	stream.indirect.scatter.add.f32 [tilespmem:s15], [sflag:$0x2], $0x80, s31, s14, $0xb8;
	[tilespmem:$0x1CC00] =	vst v63  }
0x22: {  	_ =	swait.ge [sflag:s12], $0x4000  }
0x23: {  	s19 =	simm.s32 $0x400;
	s18 =	simm.s32 $0x200;
	[sflag:s12] =	ssyncset.done $0x0  }
.LBB2_2:
0x24: {  	s20 =	sshra.s32 s18, $0x2  }
0x25: {  	[sflag:s12] =	ssyncadd.s32 $0xFFFFC000;
	s18 =	smov.u32 s19;
	s21 =	sadd.s32 $0x200, s19  }
0x26: {  	[tilespmem:s15], [sflag:$0x1] =	stream.indirect.gather [hbm4b:s4+s14], $0x80, s20, s14, $0xb8;
	[tilespmem:$0x1CC00] =	vst v63  }
0x27: {  	p0 =	sne.s32 s19, $0x9C00;
	_ =	swait.ge [sflag:s16], $0x4000  }
.Ltmp0:
0x28: {  	[sflag:s16] =	ssyncset.done $0x0;
	(pc) =	sbr.rel @p0 .LBB2_2-.Ltmp0, $4  }
0x29: {  	s19 =	sadd.s32 $0x2800, s20;
	[sflag:s16] =	ssyncadd.s32 $0xFFFFC000  }
0x2a: {  	[spmem:s2] =	stream.indirect.scatter.add.f32 [tilespmem:s15], [sflag:$0x2], $0x80, s19, s14, $0xb8;
	[tilespmem:$0x1CC00] =	vst v63  }
0x2b: {  	_ =	swait.ge [sflag:s12], $0x4000  }
0x2c: {  	s19 =	smov.u32 s21;
	[sflag:s12] =	ssyncset.done $0x0  }
0x2d: {  	s18 =	sshra.s32 s18, $0x2;
	[sflag:s12] =	ssyncadd.s32 $0xFFFFC000  }
0x2e: {  	[tilespmem:s15], [sflag:$0x1] =	stream.indirect.gather [hbm4b:s4+s14], $0x80, s18, s14, $0xb8;
	[tilespmem:$0x1CC00] =	vst v63  }
0x2f: {  	_ =	swait.ge [sflag:s16], $0x4000  }
0x30: {  	[sflag:s16] =	ssyncset.done $0x0  }
0x31: {  	s18 =	sadd.s32 $0x2800, s18;
	[sflag:s16] =	ssyncadd.s32 $0xFFFFC000  }
0x32: {  	[spmem:s2] =	stream.indirect.scatter.add.f32 [tilespmem:s15], [sflag:$0x2], $0x80, s18, s14, $0xb8;
	[tilespmem:$0x1CC00] =	vst v63  }
0x33: {  	_ =	swait.ge [sflag:s12], $0x4000  }
0x34: {  	s17 =	sadd.s32 $0x1, s17;
	[sflag:s12] =	ssyncset.done $0x0  }
0x35: {  	p0 =	sne.s32 s17, s10;
	[sflag:s12] =	ssyncadd.s32 $0xFFFFC000  }
.Ltmp1:
0x36: {  	[bflag:$0x0] =	sbarrier.arrive $0xFFFF;
	(pc) =	sbr.rel @p0 .LBB2_1-.Ltmp1, $4  }
0x37: {  	[hbm:s9], [sflag:s6] =	dma.local [spmem:s11], $0x2780  }
0x38: {  	_ =	swait.ge [sflag:s12], $0x2780  }
0x39: {  	[sflag:s12] =	ssyncset.done $0x0  }
0x3a: {  	[sflag:s12] =	ssyncadd.s32 $0xFFFFD880  }
0x3b: {  	_ =	sfence.sel $0x180000  }
0x3c: {  	[bflag:$0x0] =	sbarrier.arrive $0xFFFF  }
0x3d: {  	p0 =	sne.s32 s0, $0x0;
	_ =	strace $0x9000004D  }
0x3e: {  	s0 =	sadd.s32 @!p0 $0x100000, s1;
	[bflag:$0x2] =	sbarrier.arrive $0xFFFF  }
0x3f: {  	[sflag:s0] =	ssyncadd.tile.s32 @!p0 $0x1;
	_ =	shalt  }
.Lfunc_end2:
_tile_overlayer_lowered:
.L_overlay_start_2:
0x40: {  	(tag) =	ssettag $0x2  }
0x41: {  	s0 =	rddreg [dreg:$0x0];
	s2 =	stileid.u32  }
0x42: {  	s1 =	rddreg [dreg:$0x1];
	p0 =	sne.s32 s2, $0x0  }
0x43: {  	s3 =	rddreg [dreg:$0x2];
	[bflag:$0x3] =	sbarrier.arrive $0xFFFF;
	s2 =	simm.s32 @!p0 $0x1C02  }
0x44: {  	[timem:s3], [sflag:s2] =	dma.local @!p0 [hbm:s0], s1  }
0x45: {  	s0 =	simm.s32 @!p0 $0x2  }
0x46: {  	_ =	swait.ge @!p0 [sflag:s0], s1  }
0x47: {  	s1 =	ssub.s32 @!p0 $0x0, s1;
	[sflag:s0] =	ssyncset.done @!p0 $0x0  }
0x48: {  	[sflag:s0] =	ssyncadd.s32 @!p0 s1  }
0x49: {  	[bflag:$0x3] =	sbarrier.arrive $0xFFFF  }
0x4a: {  	_ =	shalt  }

// kernel: kernel.8.cloned.1.call-start
scs
__scs_entry_jumppad:
0x0: {  	(pc) =	sbr.rel $0x88, $3  }
0x1: {  	(tag) =	ssettag $0x0;
	lr =	simm.s32 $0x1  }
0x2: {  	[smem:$0x3F82] =	sst lr;
	_ =	strace $0xD0000000  }
0x3: {  	_ = 	snop  }
0x4: {  	_ = 	snop  }
0x5: {  	_ = 	snop  }
0x6: {  	_ = 	snop  }
0x7: {  	_ = 	snop  }
__scs_overlays_trampoline_lowered:
0x8: {  	[smem:$0x3F91] =	sst s0  }
0x9: {  	[smem:$0x3F92] =	sst s1  }
0xa: {  	[smem:$0x3F93] =	sst s2  }
0xb: {  	[smem:$0x3F94] =	sst s3  }
0xc: {  	[smem:$0x3F95] =	sst s4  }
0xd: {  	[smem:$0x3F96] =	sst s5  }
0xe: {  	[smem:$0x3F97] =	sst s6  }
0xf: {  	[smem:$0x3F98] =	sst s7  }
0x10: {  	[smem:$0x3F99] =	sst s8  }
0x11: {  	[smem:$0x3F9A] =	sst s9;
	s0 =	simm.s32 @!p0 $0x0  }
0x12: {  	s1 =	sld [smem:$0x3F80];
	s0 =	simm.s32 @p0 $0x1  }
0x13: {  	[smem:$0x3F9B] =	sst s0;
	s0 =	simm.s32 @!p1 $0x0  }
0x14: {  	s2 =	sld [smem:$0x3F7F];
	s0 =	simm.s32 @p1 $0x1  }
0x15: {  	[smem:$0x3F9C] =	sst s0;
	s0 =	simm.s32 @!p2 $0x0  }
0x16: {  	s3 =	sld [smem:$0x3FDB];
	s0 =	simm.s32 @p2 $0x1  }
0x17: {  	s4 =	simm.s32 $0x1BF5;
	[smem:$0x3F9E] =	sst s0  }
0x18: {  	s0 =	sld [smem:$0x3F81];
	_ =	swait.ge [sflag:s4], $0x0  }
0x19: {  	s7 =	sld [smem:$0x3F82]  }
0x1a: {  	s8 =	sadd.s32 $0xFFFFE003, lr  }
0x1b: {  	s9 =	sadd.s32 $0xFFFFFEF7, lr;
	s5 =	simm.s32 $0xFFFFFFFF;
	p2 =	slt.u32 s8, $0xFFFFF086  }
0x1c: {  	p1 =	slt.u32 s9, $0xF7A;
	s5 =	simm.s32 @!p2 $0x0  }
0x1d: {  	s5 =	simm.s32 @p1 $0x1;
	p0 =	seq.s32 s7, s2  }
0x1e: {  	s7 =	smul.u32 @!p0 $0xF7A, s2;
	p2 =	seq.s32 @!p0 s5, $0x0  }
0x1f: {  	s9 =	smul.u32 $0xF7A, s1;
	s8 =	simm.s32 @!p0 $0x1BF5;
	p2 =	por !p2, p0  }
0x20: {  	[sflag:s8] =	ssyncset.s32 @!p0 $0xFFFFF086;
	s6 =	sadd.s32 @!p0 s3, s7;
	s7 =	simm.s32 @!p0 $0x108  }
0x21: {  	s3 =	sadd.s32 s3, s9;
	s6 =	sadd.s32 @!p0 $0x88, s6;
	s7 =	simm.s32 @p2 $0x1082  }
0x22: {  	[simem:s7], [sflag:s8] =	dma.local @!p0 [hbm:s6], $0xF7A  }
0x23: {  	s9 =	sor.u32 $0xD0000000, s2;
	s6 =	simm.s32 $0x108;
	_ =	swait.ge @!p0 [sflag:s8], $0x0  }
0x24: {  	s3 =	sadd.s32 $0x88, s3;
	s6 =	simm.s32 @!p1 $0x1082;
	[sflag:s4] =	ssyncset.s32 $0xFFFFF086  }
0x25: {  	[simem:s6], [sflag:s4] =	dma.local [hbm:s3], $0xF7A  }
0x26: {  	[smem:$0x3F82] =	sst s1;
	(tag) =	ssettag s2;
	_ =	strace s9  }
0x27: {  	s1 =	sld [smem:$0x3F92]  }
0x28: {  	s2 =	sld [smem:$0x3F93]  }
0x29: {  	s4 =	sld [smem:$0x3F95]  }
0x2a: {  	p0 =	seq.s32 s5, $0x0;
	s5 =	sld [smem:$0x3F96]  }
0x2b: {  	s6 =	sld [smem:$0x3F97]  }
0x2c: {  	s7 =	sld [smem:$0x3F98]  }
0x2d: {  	s3 =	simm.s32 $0x108;
	s8 =	sld [smem:$0x3F99]  }
0x2e: {  	s3 =	simm.s32 @!p0 $0x1082;
	s9 =	sld [smem:$0x3F9A]  }
0x2f: {  	lr =	sadd.s32 s0, s3;
	s0 =	sld [smem:$0x3F91]  }
0x30: {  	s3 =	sld [smem:$0x3F94]  }
0x31: {  	[smem:$0x3F9D] =	sst s10  }
0x32: {  	s10 =	sld [smem:$0x3F9B];
	_ =	sdelay $0x3  }
0x33: {  	p0 =	seq.s32 s10, $0x1;
	s10 =	sld [smem:$0x3F9D];
	_ =	sdelay $0x3  }
0x34: {  	[smem:$0x3F9D] =	sst s10  }
0x35: {  	s10 =	sld [smem:$0x3F9C];
	_ =	sdelay $0x3  }
0x36: {  	p1 =	seq.s32 s10, $0x1;
	s10 =	sld [smem:$0x3F9D];
	_ =	sdelay $0x3  }
0x37: {  	[smem:$0x3F9D] =	sst s10  }
0x38: {  	s10 =	sld [smem:$0x3F9E]  }
0x39: {  	_ = 	snop;
	(pc) =	sbr.ind lr, $3  }
0x3a: {  	_ = 	snop  }
0x3b: {  	_ = 	snop  }
0x3c: {  	p2 =	seq.s32 s10, $0x1;
	s10 =	sld [smem:$0x3F9D]  }
0x3d: {  	_ =	shalt  }
0x3e: {  	_ =	shalt  }
0x3f: {  	_ =	shalt  }
0x40: {  	_ =	shalt  }
0x41: {  	_ =	shalt  }
0x42: {  	_ =	shalt  }
0x43: {  	_ =	shalt  }
0x44: {  	_ =	shalt  }
0x45: {  	_ =	shalt  }
0x46: {  	_ =	shalt  }
0x47: {  	_ =	shalt  }
0x48: {  	_ =	shalt  }
0x49: {  	_ =	shalt  }
0x4a: {  	_ =	shalt  }
0x4b: {  	_ =	shalt  }
0x4c: {  	_ =	shalt  }
0x4d: {  	_ =	shalt  }
0x4e: {  	_ =	shalt  }
0x4f: {  	_ =	shalt  }
0x50: {  	_ =	shalt  }
0x51: {  	_ =	shalt  }
0x52: {  	_ =	shalt  }
0x53: {  	_ =	shalt  }
0x54: {  	_ =	shalt  }
0x55: {  	_ =	shalt  }
0x56: {  	_ =	shalt  }
0x57: {  	_ =	shalt  }
0x58: {  	_ =	shalt  }
0x59: {  	_ =	shalt  }
0x5a: {  	_ =	shalt  }
0x5b: {  	_ =	shalt  }
0x5c: {  	_ =	shalt  }
0x5d: {  	_ =	shalt  }
0x5e: {  	_ =	shalt  }
0x5f: {  	_ =	shalt  }
0x60: {  	_ =	shalt  }
0x61: {  	_ =	shalt  }
0x62: {  	_ =	shalt  }
0x63: {  	_ =	shalt  }
0x64: {  	_ =	shalt  }
0x65: {  	_ =	shalt  }
0x66: {  	_ =	shalt  }
0x67: {  	_ =	shalt  }
0x68: {  	_ =	shalt  }
0x69: {  	_ =	shalt  }
0x6a: {  	_ =	shalt  }
0x6b: {  	_ =	shalt  }
0x6c: {  	_ =	shalt  }
0x6d: {  	_ =	shalt  }
0x6e: {  	_ =	shalt  }
0x6f: {  	_ =	shalt  }
0x70: {  	_ =	shalt  }
0x71: {  	_ =	shalt  }
0x72: {  	_ =	shalt  }
0x73: {  	_ =	shalt  }
0x74: {  	_ =	shalt  }
0x75: {  	_ =	shalt  }
0x76: {  	_ =	shalt  }
0x77: {  	_ =	shalt  }
0x78: {  	_ =	shalt  }
0x79: {  	_ =	shalt  }
0x7a: {  	_ =	shalt  }
0x7b: {  	_ =	shalt  }
0x7c: {  	_ =	shalt  }
0x7d: {  	_ =	shalt  }
0x7e: {  	_ =	shalt  }
0x7f: {  	_ =	shalt  }
0x80: {  	_ =	shalt  }
0x81: {  	_ =	shalt  }
0x82: {  	_ =	shalt  }
0x83: {  	_ =	shalt  }
0x84: {  	_ =	shalt  }
0x85: {  	_ =	shalt  }
0x86: {  	_ =	shalt  }
0x87: {  	_ =	shalt  }
.Lfunc_end0:
.L_simem_size_0:
called_computation_lowered:
.L_overlay_start_0:
0x88: {  	s2 =	sld [smem:$0x3FD9]  }
0x89: {  	s3 =	sld [smem:$0x3FFE];
	_ =	sdelay $0x1  }
0x8a: {  	s1 =	srdreg.scid  }
0x8b: {  	s0 =	sand.u32 $0x1, s1  }
0x8c: {  	s17 =	sshll.u32 s0, $0xA;
	s2 =	sadd.s32 s3, s2  }
0x8d: {  	s2 =	sadd.s32 s2, s17  }
0x8e: {  	[smem:$0x3FA9] =	sst s2  }
0x8f: {  	_ = 	snop  }
0x90: {  	s2 =	sld [smem:$0x3FC9];
	(tm) =	ssettm $0x1  }
0x91: {  	s18 =	sld [smem:$0x3FFB];
	_ =	sdelay $0x3  }
0x92: {  	_ =	strace s18  }
0x93: {  	s3 =	sld [smem:$0x3FFC];
	_ =	sdelay $0x3  }
0x94: {  	_ =	strace s3  }
0x95: {  	s3 =	sld [smem:$0x3FFD];
	_ =	sdelay $0x3  }
0x96: {  	_ =	strace s3  }
0x97: {  	_ =	strace $0x8FFFFFFF  }
0x98: {  	s19 =	sld [smem:$0x3FDB];
	_ =	sdelay $0x1  }
0x99: {  	s4 =	simm.s32 $_scs_section_size  }
0x9a: {  	s5 =	simm.s32 $_size__tile_overlayer_lowered;
	s6 =	simm.s32 $_tile_overlayer_lowered  }
0x9b: {  	s22 =	simm.s32 $0x1BFF;
	s21 =	sshll.u32 s6, $0x1;
	s3 =	sadd.s32 s4, s19  }
0x9c: {  	s7 =	simm.s32 $0x0;
	s20 =	sshll.u32 s5, $0x1;
	s5 =	sadd.s32 s21, s3  }
0x9d: {  	[timem:s7], [sflag:s22] =	dma.local [hbm:s5], s20  }
0x9e: {  	_ =	swait.ge [sflag:s22], s20  }
0x9f: {  	s4 =	ssub.s32 $0x0, s20;
	[sflag:s22] =	ssyncset.done $0x0  }
0xa0: {  	[sflag:s22] =	ssyncadd.s32 s4;
	_ =	sdelay $0x1  }
0xa1: {  	s23 =	simm.s32 $0x1B8B  }
0xa2: {  	_ =	swait.ge [sflag:s23], $0x1  }
0xa3: {  	[sflag:s23] =	ssyncset.done $0x0  }
0xa4: {  	s25 =	simm.s32 $0x1B8E;
	s24 =	sld [smem:$0x3FFE];
	[sflag:s23] =	ssyncadd.s32 $0xFFFFFFFF  }
0xa5: {  	s26 =	simm.s32 $execute0_lowered;
	[smem:$0x3FD2] =	sst s25  }
0xa6: {  	s5 =	sshll.u32 s26, $0x1;
	_ =	strace $0x80000046;
	[dreg:$0x1] =	wrdreg $0xFFFFFFFF  }
0xa7: {  	s28 =	simm.s32 $_size_execute0_lowered;
	s3 =	sadd.s32 s3, s5;
	[dreg:$0x0] =	wrdreg $0x0  }
0xa8: {  	s5 =	sshll.u32 s28, $0x1;
	[dreg:$0x2] =	wrdreg s3  }
0xa9: {  	[dreg:$0x3] =	wrdreg s5  }
0xaa: {  	[dreg:$0x4] =	wrdreg $0xC0  }
0xab: {  	_ =	task [dreg:s7], $0x5FFFF  }
0xac: {  	[dreg:$0x1] =	wrdreg $0xFFFFFFFF  }
0xad: {  	[dreg:$0x0] =	wrdreg $0x60  }
0xae: {  	[dreg:$0x2] =	wrdreg s2  }
0xaf: {  	[dreg:$0x3] =	wrdreg s24  }
0xb0: {  	[dreg:$0x4] =	wrdreg $0x90000  }
0xb1: {  	[dreg:$0x5] =	wrdreg $0x9  }
0xb2: {  	_ =	task.clear_ibuf [dreg:s7], $0x6FFFF;
	_ =	strace $0x90000046  }
0xb3: {  	s29 =	simm.s32 $0x9;
	_ =	strace $0x80000048  }
0xb4: {  	_ =	swait.ge [sflag:s29], $0x1  }
0xb5: {  	[sflag:s29] =	ssyncadd.s32 $0xFFFFFFFF  }
0xb6: {  	_ =	strace $0x90000048  }
0xb7: {  	_ =	sfence  }
0xb8: {  	s30 =	sld [smem:$0x0];
	_ =	sdelay $0x2  }
0xb9: {  	s31 =	sshll.u32 s1, $0xD;
	s1 =	sshrl.u32 s1, $0x2  }
0xba: {  	s3 =	sand.u32 $0x4000, s31;
	s1 =	sadd.s32 s1, s30  }
0xbb: {  	s0 =	sor.u32 s3, s0;
	s1 =	sshll.u32 s1, $0x11  }
0xbc: {  	s0 =	sor.u32 s1, s0  }
0xbd: {  	s0 =	sadd.s32 $0x8F2B, s0  }
0xbe: {  	[sflag:s0] =	ssyncadd.remote.s32 $0x1  }
0xbf: {  	_ =	sfence.sel $0xFFFF  }
0xc0: {  	[dreg:$0x0] =	wrdreg $0xFFFFFFFF;
	(pc) =	sbr.abs _section_cstart, $3  }
0xc1: {  	[dreg:$0x1] =	wrdreg $0xFFFFFFFF  }
0xc2: {  	_ =	task.clear_ibuf [dreg:s7], $0x2FFFF;
	_ =	strace $0x9FFFFFFF  }
0xc3: {  	(tm) =	ssettm $0x7FFFFFFF  }
tec
execute0_lowered:
.L_overlay_start_1:
0x0: {  	(tag) =	ssettag $0x1  }
0x1: {  	s1 =	rddreg [dreg:$0x0]  }
0x2: {  	s5 =	rddreg [dreg:$0x1]  }
0x3: {  	s0 =	srdreg.scid;
	s3 =	rddreg [dreg:$0x2]  }
0x4: {  	s2 =	rddreg [dreg:$0x3];
	s6 =	sand.u32 $0x1, s0  }
0x5: {  	s4 =	simm.s32 $0x0;
	s0 =	stileid.u32;
	s7 =	smul.u32 $0x28000, s6  }
0x6: {  	s14 =	simm.s32 $0x80;
	s15 =	simm.s32 $0x5000;
	s8 =	smul.u32 $0x2800, s0  }
0x7: {  	s16 =	simm.s32 $0x1;
	[smem:$0x7FF] =	sst s4;
	s26 =	smul.u32 $0x13C00, s0  }
0x8: {  	s17 =	simm.s32 $0x0;
	s9 =	smul.u32 $0x13C000, s6;
	_ =	strace $0x80000047  }
0x9: {  	s6 =	ssub.s32 $0x2, s6;
	s29 =	smul.u32 $0x4F000, s0;
	s31 =	sshll.u32 s0, $0x6  }
0xa: {  	s11 =	sshrl.u32 s6, $0x1;
	s7 =	sadd.s32 s8, s7;
	s28 =	sshrl.u32 s26, $0x3  }
0xb: {  	s8 =	sadd.s32 s26, s9;
	s11 =	ssub.s32 s6, s11;
	s30 =	sshrl.u32 s29, $0x2  }
0xc: {  	s6 =	sor.u32 $0x1C02, s31;
	s7 =	sshrl.u32 s7, $0x3;
	s8 =	sshrl.u32 s8, $0x3  }
0xd: {  	s13 =	sadd.s32 s30, s3;
	s10 =	sadd.s32 s7, s5;
	s7 =	sadd.s32 s28, s5  }
0xe: {  	s12 =	sadd.s32 s8, s5;
	s5 =	sadd.s32 $0x18E00, s7;
	s7 =	sadd.s32 $0x4E00, s10  }
0xf: {  	s8 =	sadd.s32 $0xEE00, s10;
	s9 =	sadd.s32 $0x40600, s12;
	s10 =	smax.u32 s11, $0x1  }
0x10: {  	s11 =	sshrl.u32 s13, $0x3;
	s12 =	simm.s32 $0x2;
	s13 =	simm.s32 $0x2800  }
.LBB2_1:
0x11: {  	[spmem:s11], [sflag:s6] =	dma.local [hbm:s5], $0x2780  }
0x12: {  	_ =	swait.ge [sflag:s12], $0x2780  }
0x13: {  	[sflag:s12] =	ssyncset.done $0x0  }
0x14: {  	[sflag:s12] =	ssyncadd.s32 $0xFFFFD880  }
0x15: {  	[tilespmem:s4], [sflag:$0x2] =	stream.linear.gather [hbm4b:s7+s4], $0x2780, $0x38;
	[tilespmem:$0x1CC00] =	vst v63  }
0x16: {  	_ =	swait.ge [sflag:s12], $0x2780  }
0x17: {  	[sflag:s12] =	ssyncset.done $0x0  }
0x18: {  	[sflag:s12] =	ssyncadd.s32 $0xFFFFD880  }
0x19: {  	[tilespmem:s13], [sflag:$0x2] =	stream.linear.gather [hbm4b:s8+s4], $0x2780, $0x38;
	[tilespmem:$0x1CC00] =	vst v63  }
0x1a: {  	_ =	swait.ge [sflag:s12], $0x2780  }
0x1b: {  	[sflag:s12] =	ssyncset.done $0x0  }
0x1c: {  	[sflag:s12] =	ssyncadd.s32 $0xFFFFD880  }
0x1d: {  	s18 =	simm.s32 $0x0;
	[bflag:$0x0] =	sbarrier.arrive $0xFFFF  }
0x1e: {  	[tilespmem:s15], [sflag:$0x1] =	stream.indirect.gather [hbm4b:s1+s14], $0x80, s18, s14, $0xb8;
	[tilespmem:$0x1CC00] =	vst v63  }
0x1f: {  	_ =	swait.ge [sflag:s16], $0x4000  }
0x20: {  	[sflag:s16] =	ssyncset.done $0x0  }
0x21: {  	s31 =	simm.s32 $0x2800;
	[sflag:s16] =	ssyncadd.s32 $0xFFFFC000  }
0x22: {  	[spmem:s3] =	stream.indirect.scatter.add.f32 [tilespmem:s15], [sflag:$0x2], $0x80, s31, s14, $0xb8;
	[tilespmem:$0x1CC00] =	vst v63  }
0x23: {  	_ =	swait.ge [sflag:s12], $0x4000  }
0x24: {  	s19 =	simm.s32 $0x400;
	s18 =	simm.s32 $0x200;
	[sflag:s12] =	ssyncset.done $0x0  }
.LBB2_2:
0x25: {  	s20 =	sshra.s32 s18, $0x2  }
0x26: {  	[sflag:s12] =	ssyncadd.s32 $0xFFFFC000;
	s18 =	smov.u32 s19;
	s21 =	sadd.s32 $0x200, s19  }
0x27: {  	[tilespmem:s15], [sflag:$0x1] =	stream.indirect.gather [hbm4b:s1+s14], $0x80, s20, s14, $0xb8;
	[tilespmem:$0x1CC00] =	vst v63  }
0x28: {  	p0 =	sne.s32 s19, $0x9C00;
	_ =	swait.ge [sflag:s16], $0x4000  }
.Ltmp0:
0x29: {  	[sflag:s16] =	ssyncset.done $0x0;
	(pc) =	sbr.rel @p0 .LBB2_2-.Ltmp0, $4  }
0x2a: {  	s19 =	sadd.s32 $0x2800, s20;
	[sflag:s16] =	ssyncadd.s32 $0xFFFFC000  }
0x2b: {  	[spmem:s3] =	stream.indirect.scatter.add.f32 [tilespmem:s15], [sflag:$0x2], $0x80, s19, s14, $0xb8;
	[tilespmem:$0x1CC00] =	vst v63  }
0x2c: {  	_ =	swait.ge [sflag:s12], $0x4000  }
0x2d: {  	s19 =	smov.u32 s21;
	[sflag:s12] =	ssyncset.done $0x0  }
0x2e: {  	s18 =	sshra.s32 s18, $0x2;
	[sflag:s12] =	ssyncadd.s32 $0xFFFFC000  }
0x2f: {  	[tilespmem:s15], [sflag:$0x1] =	stream.indirect.gather [hbm4b:s1+s14], $0x80, s18, s14, $0xb8;
	[tilespmem:$0x1CC00] =	vst v63  }
0x30: {  	_ =	swait.ge [sflag:s16], $0x4000  }
0x31: {  	[sflag:s16] =	ssyncset.done $0x0  }
0x32: {  	s18 =	sadd.s32 $0x2800, s18;
	[sflag:s16] =	ssyncadd.s32 $0xFFFFC000  }
0x33: {  	[spmem:s3] =	stream.indirect.scatter.add.f32 [tilespmem:s15], [sflag:$0x2], $0x80, s18, s14, $0xb8;
	[tilespmem:$0x1CC00] =	vst v63  }
0x34: {  	_ =	swait.ge [sflag:s12], $0x4000  }
0x35: {  	s17 =	sadd.s32 $0x1, s17;
	[sflag:s12] =	ssyncset.done $0x0  }
0x36: {  	p0 =	sne.s32 s17, s10;
	[sflag:s12] =	ssyncadd.s32 $0xFFFFC000  }
.Ltmp1:
0x37: {  	[bflag:$0x0] =	sbarrier.arrive $0xFFFF;
	(pc) =	sbr.rel @p0 .LBB2_1-.Ltmp1, $4  }
0x38: {  	[hbm:s9], [sflag:s6] =	dma.local [spmem:s11], $0x2780  }
0x39: {  	_ =	swait.ge [sflag:s12], $0x2780  }
0x3a: {  	[sflag:s12] =	ssyncset.done $0x0  }
0x3b: {  	[sflag:s12] =	ssyncadd.s32 $0xFFFFD880  }
0x3c: {  	_ =	sfence.sel $0x180000  }
0x3d: {  	[bflag:$0x0] =	sbarrier.arrive $0xFFFF  }
0x3e: {  	p0 =	sne.s32 s0, $0x0;
	_ =	strace $0x90000047  }
0x3f: {  	s0 =	sadd.s32 @!p0 $0x100000, s2;
	[bflag:$0x2] =	sbarrier.arrive $0xFFFF  }
0x40: {  	[sflag:s0] =	ssyncadd.tile.s32 @!p0 $0x1;
	_ =	shalt  }
.Lfunc_end2:
_tile_overlayer_lowered:
.L_overlay_start_2:
0x41: {  	(tag) =	ssettag $0x2  }
0x42: {  	s0 =	rddreg [dreg:$0x0];
	s2 =	stileid.u32  }
0x43: {  	s1 =	rddreg [dreg:$0x1];
	p0 =	sne.s32 s2, $0x0  }
0x44: {  	s3 =	rddreg [dreg:$0x2];
	[bflag:$0x3] =	sbarrier.arrive $0xFFFF;
	s2 =	simm.s32 @!p0 $0x1C02  }
0x45: {  	[timem:s3], [sflag:s2] =	dma.local @!p0 [hbm:s0], s1  }
0x46: {  	s0 =	simm.s32 @!p0 $0x2  }
0x47: {  	_ =	swait.ge @!p0 [sflag:s0], s1  }
0x48: {  	s1 =	ssub.s32 @!p0 $0x0, s1;
	[sflag:s0] =	ssyncset.done @!p0 $0x0  }
0x49: {  	[sflag:s0] =	ssyncadd.s32 @!p0 s1  }
0x4a: {  	[bflag:$0x3] =	sbarrier.arrive $0xFFFF  }
0x4b: {  	_ =	shalt  }

</sc_bundles>
